<compile_context>
chip_gen: v7x
topology: tpu7x:2x2x1
jax: 0.10.2.dev20260603
libtpu: 0.0.44.dev20260713+nightly
codegen_flags: <defaults>
</compile_context>

<pallas_src>
import functools

import jax
import jax.numpy as jnp
from jax import lax
from jax.experimental import pallas as pl
from jax.experimental.pallas import tpu as pltpu
from jax.experimental.pallas import tpu_sc as plsc

SEG = 16
NSEG = 128
TOPK = 12
DBLK = 16


def _tc_body(x_ref, a_ref, th_ref):
    xb = x_ref[0]
    e = xb.reshape(DBLK, NSEG, SEG)

    a_slices = []
    for s in range(DBLK):
        es = e[s]
        gram = jax.lax.dot_general(
            es, es,
            dimension_numbers=(((1,), (1,)), ((), ())),
            preferred_element_type=jnp.float32,
            precision=jax.lax.Precision.DEFAULT,
        )
        n2 = jnp.sum(es * es, axis=1)
        inv = 1.0 / jnp.sqrt(n2)
        a_slices.append(gram * (inv[:, None] * inv[None, :]))
    a = jnp.stack(a_slices, axis=0)

    ri = jax.lax.broadcasted_iota(jnp.int32, (NSEG, NSEG), 0)
    ci = jax.lax.broadcasted_iota(jnp.int32, (NSEG, NSEG), 1)
    diag = (ri == ci)[None]

    work = jnp.where(diag, -jnp.inf, a)
    for _ in range(TOPK - 2):
        m = jnp.max(work, axis=-2, keepdims=True)
        work = jnp.where(work == m, -jnp.inf, work)
    thresh = jnp.max(work, axis=-2, keepdims=True)
    thresh_col = thresh.reshape(DBLK, NSEG, 1)

    a_ref[:, 0] = a
    th_ref[:, 0] = jnp.broadcast_to(thresh_col, (DBLK, NSEG, SEG))


def _tc_stage(x):
    batch, ts_dim, ts_len = x.shape
    a, th = pl.pallas_call(
        _tc_body,
        grid=(batch, ts_dim // DBLK),
        in_specs=[
            pl.BlockSpec((1, DBLK, ts_len), lambda b, do: (b, do, 0)),
        ],
        out_specs=[
            pl.BlockSpec((DBLK, 1, NSEG, NSEG), lambda b, do: (do, b, 0, 0)),
            pl.BlockSpec((DBLK, 1, NSEG, SEG), lambda b, do: (do, b, 0, 0)),
        ],
        out_shape=[
            jax.ShapeDtypeStruct((ts_dim, batch, NSEG, NSEG), jnp.float32),
            jax.ShapeDtypeStruct((ts_dim, batch, NSEG, SEG), jnp.float32),
        ],
        compiler_params=pltpu.CompilerParams(
            dimension_semantics=("parallel", "parallel"),
        ),
    )(x)
    return a, th


def _sc_mask(a_flat, th_flat):
    n_slices = a_flat.shape[0]
    info = plsc.get_sparse_core_info()
    nw = info.num_cores * info.num_subcores
    per_w = n_slices // nw
    mesh = plsc.VectorSubcoreMesh(core_axis_name="c", subcore_axis_name="s")

    @functools.partial(
        pl.kernel, mesh=mesh,
        out_type=jax.ShapeDtypeStruct((n_slices, NSEG, NSEG), jnp.float32),
        scratch_types=[
            pltpu.VMEM((NSEG, NSEG), jnp.float32),
            pltpu.VMEM((NSEG, SEG), jnp.float32),
            pltpu.VMEM((NSEG, NSEG), jnp.float32),
        ],
    )
    def sc_kernel(a_hbm, th_hbm, out_hbm, a_v, th_v, o_v):
        wid = lax.axis_index("s") * info.num_cores + lax.axis_index("c")
        base = wid * per_w
        lane = lax.iota(jnp.int32, SEG)

        def do_slice(g, carry):
            sl = base + g
            pltpu.sync_copy(a_hbm.at[sl], a_v)
            pltpu.sync_copy(th_hbm.at[sl], th_v)

            def do_row(i, c2):
                th_vec = th_v[i, :]
                for c in range(NSEG // SEG):
                    v = a_v[i, pl.ds(c * SEG, SEG)]
                    keep = jnp.logical_or(v >= th_vec, (lane + c * SEG) == i)
                    o_v[i, pl.ds(c * SEG, SEG)] = jnp.where(keep, v, 0.0)
                return c2

            lax.fori_loop(0, NSEG, do_row, 0)
            pltpu.sync_copy(o_v, out_hbm.at[sl])
            return carry

        lax.fori_loop(0, per_w, do_slice, 0)

    return sc_kernel(a_flat, th_flat)


def kernel(x):
    batch, ts_dim, ts_len = x.shape
    a, th = _tc_stage(x)
    a_flat = a.reshape(ts_dim * batch, NSEG, NSEG)
    th_flat = th.reshape(ts_dim * batch, NSEG, SEG)
    out = _sc_mask(a_flat, th_flat)
    return out.reshape(ts_dim, batch, NSEG, NSEG)

# --- scband reference (transcript-rebuilt; emitter-appended) ---
"""Pipeline reference for scband-intra-topk-6107443494987 (READ-ONLY COPY).

The authoritative reference and input builder live on the scoring server;
editing this copy changes nothing except your own understanding.
"""

import jax, jax.numpy as jnp
import numpy as np

SEG_LEN = 16
NODE_NUM = 128
K = int(NODE_NUM * 0.1)  # 12


def setup_inputs(seed: int = 0) -> dict:
    key = jax.random.key(seed)
    x = jax.random.normal(key, (32, 64, 2048), dtype=jnp.float32)
    return {"x": x}


def reference(x):
    batch, ts_dim, ts_len = x.shape
    trim = ts_len - ts_len % SEG_LEN
    x = x[:, :, :trim]
    seg_num = trim // SEG_LEN
    x_embed = x.reshape(batch, ts_dim, seg_num, SEG_LEN)
    # cosine-similarity adjacency: gram / outer(norms)
    gram = jnp.einsum('bdij,bdjk->bdik', x_embed, jnp.swapaxes(x_embed, 2, 3))
    norms = jnp.linalg.norm(x_embed, axis=3)
    a = gram / jnp.einsum('bdi,bdj->bdij', norms, norms)
    # top-k along last dim, scatter 1s into mask at top-k indices
    s1, t1 = jax.lax.top_k(a, K)
    b_idx = jnp.arange(batch)[:, None, None, None]
    d_idx = jnp.arange(ts_dim)[None, :, None, None]
    n_idx = jnp.arange(seg_num)[None, None, :, None]
    mask = jnp.zeros_like(a).at[b_idx, d_idx, n_idx, t1].set(1.0)
    adjs = a * mask
    # rearrange 'b d i j -> d b i j' (the torch module then packs these into pyg graphs)
    adjs = jnp.transpose(adjs, (1, 0, 2, 3))
    return adjs

if __name__ == "__main__":
    import jax
    _d = setup_inputs()
    print(jax.jit(kernel)(*tuple(_d.values())))

</pallas_src>

<mosaic_0001>
#map = affine_map<(d0, d1) -> (0, 0, 0)>
module attributes {stable_mosaic.version = 14 : i64} {
  func.func @sc_kernel(%arg0: i32, %arg1: i32, %arg2: memref<2048x128x128xf32, #tpu.memory_space<hbm>>, %arg3: memref<2048x128x16xf32, #tpu.memory_space<hbm>>, %arg4: memref<2048x128x128xf32, #tpu.memory_space<hbm>>, %arg5: memref<128x128xf32, #tpu.memory_space<vmem>>, %arg6: memref<128x16xf32, #tpu.memory_space<vmem>>, %arg7: memref<128x128xf32, #tpu.memory_space<vmem>>) attributes {dimension_semantics = [#tpu.dimension_semantics<core_parallel>, #tpu.dimension_semantics<subcore_parallel>], iteration_bounds = array<i64: 2, 16>, scalar_prefetch = 0 : i64, scratch_operands = 3 : i64, tpu.core_type = #tpu.core_type<sc_vector_subcore>, window_params = [{transform_indices = #map}, {transform_indices = #map}, {transform_indices = #map}]} {
    %mul3A = arith.constant 2 : i32
    %mul3A_0 = arith.muli %arg1, %mul3A : i32
    %add3A = arith.addi %mul3A_0, %arg0 : i32
    %mul3A_1 = arith.constant 64 : i32
    %mul3A_2 = arith.muli %add3A, %mul3A_1 : i32
    %iota3A = tpu.iota {dimensions = array<i32: 0>} : vector<16xi32>
    %scan3A = arith.constant 0 : i32
    %scan3A_3 = arith.constant 0 : i32
    %scan3A_4 = arith.constant 64 : i32
    %scan3A_5 = arith.addi %scan3A_3, %scan3A_4 : i32
    %scan3A_6 = arith.constant 1 : i32
    scf.for %scan3A_8 = %scan3A_3 to %scan3A_5 step %scan3A_6  : i32 {
      %add3A_9 = arith.addi %mul3A_2, %scan3A_8 : i32
      "tpu.region"() ({
        %run_scoped3A = tpu.sem_alloc : memref<!tpu.dma_semaphore, #tpu.memory_space<semaphore_mem>>
        %dma_start3A = arith.constant 0 : i32
        %dma_start3A_16 = arith.constant 0 : i32
        %dma_start3A_17 = tpu.memref_slice %arg2[%add3A_9, %dma_start3A, %dma_start3A_16] : memref<2048x128x128xf32, #tpu.memory_space<hbm>> -> memref<1x128x128xf32, #tpu.memory_space<hbm>>
        %dma_start3A_18 = tpu.memref_squeeze %dma_start3A_17 : memref<1x128x128xf32, #tpu.memory_space<hbm>> -> memref<128x128xf32, #tpu.memory_space<hbm>>
        %dma_start3A_19 = arith.constant 0 : i32
        %dma_start3A_20 = arith.constant 0 : i32
        %dma_start3A_21 = tpu.memref_slice %arg2[%add3A_9, %dma_start3A_19, %dma_start3A_20] : memref<2048x128x128xf32, #tpu.memory_space<hbm>> -> memref<1x128x128xf32, #tpu.memory_space<hbm>>
        %dma_start3A_22 = tpu.memref_squeeze %dma_start3A_21 : memref<1x128x128xf32, #tpu.memory_space<hbm>> -> memref<128x128xf32, #tpu.memory_space<hbm>>
        tpu.enqueue_dma source(%dma_start3A_22 : memref<128x128xf32, #tpu.memory_space<hbm>>) target(%arg5 : memref<128x128xf32, #tpu.memory_space<vmem>>) target_semaphore(%run_scoped3A : memref<!tpu.dma_semaphore, #tpu.memory_space<semaphore_mem>>)
        %dma_wait3A = arith.constant 0 : i32
        %dma_wait3A_23 = arith.constant 0 : i32
        %dma_wait3A_24 = tpu.memref_slice %arg2[%add3A_9, %dma_wait3A, %dma_wait3A_23] : memref<2048x128x128xf32, #tpu.memory_space<hbm>> -> memref<1x128x128xf32, #tpu.memory_space<hbm>>
        %dma_wait3A_25 = tpu.memref_squeeze %dma_wait3A_24 : memref<1x128x128xf32, #tpu.memory_space<hbm>> -> memref<128x128xf32, #tpu.memory_space<hbm>>
        %dma_wait3A_26 = arith.constant 0 : i32
        %dma_wait3A_27 = arith.constant 0 : i32
        %dma_wait3A_28 = tpu.memref_slice %arg2[%add3A_9, %dma_wait3A_26, %dma_wait3A_27] : memref<2048x128x128xf32, #tpu.memory_space<hbm>> -> memref<1x128x128xf32, #tpu.memory_space<hbm>>
        %dma_wait3A_29 = tpu.memref_squeeze %dma_wait3A_28 : memref<1x128x128xf32, #tpu.memory_space<hbm>> -> memref<128x128xf32, #tpu.memory_space<hbm>>
        tpu.wait_dma2 semaphore(%run_scoped3A : memref<!tpu.dma_semaphore, #tpu.memory_space<semaphore_mem>>) src(%dma_wait3A_29 : memref<128x128xf32, #tpu.memory_space<hbm>>) dst(%arg5 : memref<128x128xf32, #tpu.memory_space<vmem>>)
        tpu.yield
      }) : () -> ()
      "tpu.region"() ({
        %run_scoped3A = tpu.sem_alloc : memref<!tpu.dma_semaphore, #tpu.memory_space<semaphore_mem>>
        %dma_start3A = arith.constant 0 : i32
        %dma_start3A_16 = arith.constant 0 : i32
        %dma_start3A_17 = tpu.memref_slice %arg3[%add3A_9, %dma_start3A, %dma_start3A_16] : memref<2048x128x16xf32, #tpu.memory_space<hbm>> -> memref<1x128x16xf32, #tpu.memory_space<hbm>>
        %dma_start3A_18 = tpu.memref_squeeze %dma_start3A_17 : memref<1x128x16xf32, #tpu.memory_space<hbm>> -> memref<128x16xf32, #tpu.memory_space<hbm>>
        %dma_start3A_19 = arith.constant 0 : i32
        %dma_start3A_20 = arith.constant 0 : i32
        %dma_start3A_21 = tpu.memref_slice %arg3[%add3A_9, %dma_start3A_19, %dma_start3A_20] : memref<2048x128x16xf32, #tpu.memory_space<hbm>> -> memref<1x128x16xf32, #tpu.memory_space<hbm>>
        %dma_start3A_22 = tpu.memref_squeeze %dma_start3A_21 : memref<1x128x16xf32, #tpu.memory_space<hbm>> -> memref<128x16xf32, #tpu.memory_space<hbm>>
        tpu.enqueue_dma source(%dma_start3A_22 : memref<128x16xf32, #tpu.memory_space<hbm>>) target(%arg6 : memref<128x16xf32, #tpu.memory_space<vmem>>) target_semaphore(%run_scoped3A : memref<!tpu.dma_semaphore, #tpu.memory_space<semaphore_mem>>)
        %dma_wait3A = arith.constant 0 : i32
        %dma_wait3A_23 = arith.constant 0 : i32
        %dma_wait3A_24 = tpu.memref_slice %arg3[%add3A_9, %dma_wait3A, %dma_wait3A_23] : memref<2048x128x16xf32, #tpu.memory_space<hbm>> -> memref<1x128x16xf32, #tpu.memory_space<hbm>>
        %dma_wait3A_25 = tpu.memref_squeeze %dma_wait3A_24 : memref<1x128x16xf32, #tpu.memory_space<hbm>> -> memref<128x16xf32, #tpu.memory_space<hbm>>
        %dma_wait3A_26 = arith.constant 0 : i32
        %dma_wait3A_27 = arith.constant 0 : i32
        %dma_wait3A_28 = tpu.memref_slice %arg3[%add3A_9, %dma_wait3A_26, %dma_wait3A_27] : memref<2048x128x16xf32, #tpu.memory_space<hbm>> -> memref<1x128x16xf32, #tpu.memory_space<hbm>>
        %dma_wait3A_29 = tpu.memref_squeeze %dma_wait3A_28 : memref<1x128x16xf32, #tpu.memory_space<hbm>> -> memref<128x16xf32, #tpu.memory_space<hbm>>
        tpu.wait_dma2 semaphore(%run_scoped3A : memref<!tpu.dma_semaphore, #tpu.memory_space<semaphore_mem>>) src(%dma_wait3A_29 : memref<128x16xf32, #tpu.memory_space<hbm>>) dst(%arg6 : memref<128x16xf32, #tpu.memory_space<vmem>>)
        tpu.yield
      }) : () -> ()
      %scan3A_10 = arith.constant 0 : i32
      %scan3A_11 = arith.constant 0 : i32
      %scan3A_12 = arith.constant 128 : i32
      %scan3A_13 = arith.addi %scan3A_11, %scan3A_12 : i32
      %scan3A_14 = arith.constant 1 : i32
      scf.for %scan3A_16 = %scan3A_11 to %scan3A_13 step %scan3A_14  : i32 {
        %get3A = arith.index_cast %scan3A_16 : i32 to index
        %get3A_17 = arith.constant 0 : index
        %get3A_18 = tpu.vector_load %arg6[%get3A, %get3A_17] {strides = array<i32>} : memref<128x16xf32, #tpu.memory_space<vmem>>, vector<1x16xf32>,
        %get3A_19 = vector.shape_cast %get3A_18 : vector<1x16xf32> to vector<16xf32>
        %get3A_20 = arith.index_cast %scan3A_16 : i32 to index
        %get3A_21 = arith.constant 0 : index
        %get3A_22 = tpu.vector_load %arg5[%get3A_20, %get3A_21] {strides = array<i32>} : memref<128x128xf32, #tpu.memory_space<vmem>>, vector<1x16xf32>,
        %get3A_23 = vector.shape_cast %get3A_22 : vector<1x16xf32> to vector<16xf32>
        %ge3A = arith.cmpf oge, %get3A_23, %get3A_19 : vector<16xf32>
        %add3A_24 = arith.constant 0 : i32
        %add3A_25 = vector.broadcast %add3A_24 : i32 to vector<16xi32>
        %add3A_26 = arith.addi %iota3A, %add3A_25 : vector<16xi32>
        %eq3A = vector.broadcast %scan3A_16 : i32 to vector<16xi32>
        %eq3A_27 = arith.cmpi eq, %add3A_26, %eq3A : vector<16xi32>
        %or3A = arith.ori %ge3A, %eq3A_27 : vector<16xi1>
        %jit3A = arith.constant 0.000000e+00 : f32
        %broadcast_in_dim3A = vector.broadcast %jit3A : f32 to vector<16xf32>
        %select_n3A = arith.select %or3A, %get3A_23, %broadcast_in_dim3A : vector<16xi1>, vector<16xf32>
        %swap3A = arith.index_cast %scan3A_16 : i32 to index
        %swap3A_28 = arith.constant 0 : index
        %swap3A_29 = tpu.vector_load %arg7[%swap3A, %swap3A_28] {strides = array<i32>} : memref<128x128xf32, #tpu.memory_space<vmem>>, vector<1x16xf32>,
        %swap3A_30 = vector.shape_cast %swap3A_29 : vector<1x16xf32> to vector<16xf32>
        %swap3A_31 = vector.shape_cast %select_n3A : vector<16xf32> to vector<1x16xf32>
        tpu.vector_store %arg7[%swap3A, %swap3A_28], %swap3A_31 {strides = array<i32>} : memref<128x128xf32, #tpu.memory_space<vmem>>, vector<1x16xf32>,
        %get3A_32 = arith.index_cast %scan3A_16 : i32 to index
        %get3A_33 = arith.constant 16 : index
        %get3A_34 = tpu.vector_load %arg5[%get3A_32, %get3A_33] {strides = array<i32>} : memref<128x128xf32, #tpu.memory_space<vmem>>, vector<1x16xf32>,
        %get3A_35 = vector.shape_cast %get3A_34 : vector<1x16xf32> to vector<16xf32>
        %ge3A_36 = arith.cmpf oge, %get3A_35, %get3A_19 : vector<16xf32>
        %add3A_37 = arith.constant 16 : i32
        %add3A_38 = vector.broadcast %add3A_37 : i32 to vector<16xi32>
        %add3A_39 = arith.addi %iota3A, %add3A_38 : vector<16xi32>
        %eq3A_40 = vector.broadcast %scan3A_16 : i32 to vector<16xi32>
        %eq3A_41 = arith.cmpi eq, %add3A_39, %eq3A_40 : vector<16xi32>
        %or3A_42 = arith.ori %ge3A_36, %eq3A_41 : vector<16xi1>
        %jit3A_43 = arith.constant 0.000000e+00 : f32
        %broadcast_in_dim3A_44 = vector.broadcast %jit3A_43 : f32 to vector<16xf32>
        %select_n3A_45 = arith.select %or3A_42, %get3A_35, %broadcast_in_dim3A_44 : vector<16xi1>, vector<16xf32>
        %swap3A_46 = arith.index_cast %scan3A_16 : i32 to index
        %swap3A_47 = arith.constant 16 : index
        %swap3A_48 = tpu.vector_load %arg7[%swap3A_46, %swap3A_47] {strides = array<i32>} : memref<128x128xf32, #tpu.memory_space<vmem>>, vector<1x16xf32>,
        %swap3A_49 = vector.shape_cast %swap3A_48 : vector<1x16xf32> to vector<16xf32>
        %swap3A_50 = vector.shape_cast %select_n3A_45 : vector<16xf32> to vector<1x16xf32>
        tpu.vector_store %arg7[%swap3A_46, %swap3A_47], %swap3A_50 {strides = array<i32>} : memref<128x128xf32, #tpu.memory_space<vmem>>, vector<1x16xf32>,
        %get3A_51 = arith.index_cast %scan3A_16 : i32 to index
        %get3A_52 = arith.constant 32 : index
        %get3A_53 = tpu.vector_load %arg5[%get3A_51, %get3A_52] {strides = array<i32>} : memref<128x128xf32, #tpu.memory_space<vmem>>, vector<1x16xf32>,
        %get3A_54 = vector.shape_cast %get3A_53 : vector<1x16xf32> to vector<16xf32>
        %ge3A_55 = arith.cmpf oge, %get3A_54, %get3A_19 : vector<16xf32>
        %add3A_56 = arith.constant 32 : i32
        %add3A_57 = vector.broadcast %add3A_56 : i32 to vector<16xi32>
        %add3A_58 = arith.addi %iota3A, %add3A_57 : vector<16xi32>
        %eq3A_59 = vector.broadcast %scan3A_16 : i32 to vector<16xi32>
        %eq3A_60 = arith.cmpi eq, %add3A_58, %eq3A_59 : vector<16xi32>
        %or3A_61 = arith.ori %ge3A_55, %eq3A_60 : vector<16xi1>
        %jit3A_62 = arith.constant 0.000000e+00 : f32
        %broadcast_in_dim3A_63 = vector.broadcast %jit3A_62 : f32 to vector<16xf32>
        %select_n3A_64 = arith.select %or3A_61, %get3A_54, %broadcast_in_dim3A_63 : vector<16xi1>, vector<16xf32>
        %swap3A_65 = arith.index_cast %scan3A_16 : i32 to index
        %swap3A_66 = arith.constant 32 : index
        %swap3A_67 = tpu.vector_load %arg7[%swap3A_65, %swap3A_66] {strides = array<i32>} : memref<128x128xf32, #tpu.memory_space<vmem>>, vector<1x16xf32>,
        %swap3A_68 = vector.shape_cast %swap3A_67 : vector<1x16xf32> to vector<16xf32>
        %swap3A_69 = vector.shape_cast %select_n3A_64 : vector<16xf32> to vector<1x16xf32>
        tpu.vector_store %arg7[%swap3A_65, %swap3A_66], %swap3A_69 {strides = array<i32>} : memref<128x128xf32, #tpu.memory_space<vmem>>, vector<1x16xf32>,
        %get3A_70 = arith.index_cast %scan3A_16 : i32 to index
        %get3A_71 = arith.constant 48 : index
        %get3A_72 = tpu.vector_load %arg5[%get3A_70, %get3A_71] {strides = array<i32>} : memref<128x128xf32, #tpu.memory_space<vmem>>, vector<1x16xf32>,
        %get3A_73 = vector.shape_cast %get3A_72 : vector<1x16xf32> to vector<16xf32>
        %ge3A_74 = arith.cmpf oge, %get3A_73, %get3A_19 : vector<16xf32>
        %add3A_75 = arith.constant 48 : i32
        %add3A_76 = vector.broadcast %add3A_75 : i32 to vector<16xi32>
        %add3A_77 = arith.addi %iota3A, %add3A_76 : vector<16xi32>
        %eq3A_78 = vector.broadcast %scan3A_16 : i32 to vector<16xi32>
        %eq3A_79 = arith.cmpi eq, %add3A_77, %eq3A_78 : vector<16xi32>
        %or3A_80 = arith.ori %ge3A_74, %eq3A_79 : vector<16xi1>
        %jit3A_81 = arith.constant 0.000000e+00 : f32
        %broadcast_in_dim3A_82 = vector.broadcast %jit3A_81 : f32 to vector<16xf32>
        %select_n3A_83 = arith.select %or3A_80, %get3A_73, %broadcast_in_dim3A_82 : vector<16xi1>, vector<16xf32>
        %swap3A_84 = arith.index_cast %scan3A_16 : i32 to index
        %swap3A_85 = arith.constant 48 : index
        %swap3A_86 = tpu.vector_load %arg7[%swap3A_84, %swap3A_85] {strides = array<i32>} : memref<128x128xf32, #tpu.memory_space<vmem>>, vector<1x16xf32>,
        %swap3A_87 = vector.shape_cast %swap3A_86 : vector<1x16xf32> to vector<16xf32>
        %swap3A_88 = vector.shape_cast %select_n3A_83 : vector<16xf32> to vector<1x16xf32>
        tpu.vector_store %arg7[%swap3A_84, %swap3A_85], %swap3A_88 {strides = array<i32>} : memref<128x128xf32, #tpu.memory_space<vmem>>, vector<1x16xf32>,
        %get3A_89 = arith.index_cast %scan3A_16 : i32 to index
        %get3A_90 = arith.constant 64 : index
        %get3A_91 = tpu.vector_load %arg5[%get3A_89, %get3A_90] {strides = array<i32>} : memref<128x128xf32, #tpu.memory_space<vmem>>, vector<1x16xf32>,
        %get3A_92 = vector.shape_cast %get3A_91 : vector<1x16xf32> to vector<16xf32>
        %ge3A_93 = arith.cmpf oge, %get3A_92, %get3A_19 : vector<16xf32>
        %add3A_94 = arith.constant 64 : i32
        %add3A_95 = vector.broadcast %add3A_94 : i32 to vector<16xi32>
        %add3A_96 = arith.addi %iota3A, %add3A_95 : vector<16xi32>
        %eq3A_97 = vector.broadcast %scan3A_16 : i32 to vector<16xi32>
        %eq3A_98 = arith.cmpi eq, %add3A_96, %eq3A_97 : vector<16xi32>
        %or3A_99 = arith.ori %ge3A_93, %eq3A_98 : vector<16xi1>
        %jit3A_100 = arith.constant 0.000000e+00 : f32
        %broadcast_in_dim3A_101 = vector.broadcast %jit3A_100 : f32 to vector<16xf32>
        %select_n3A_102 = arith.select %or3A_99, %get3A_92, %broadcast_in_dim3A_101 : vector<16xi1>, vector<16xf32>
        %swap3A_103 = arith.index_cast %scan3A_16 : i32 to index
        %swap3A_104 = arith.constant 64 : index
        %swap3A_105 = tpu.vector_load %arg7[%swap3A_103, %swap3A_104] {strides = array<i32>} : memref<128x128xf32, #tpu.memory_space<vmem>>, vector<1x16xf32>,
        %swap3A_106 = vector.shape_cast %swap3A_105 : vector<1x16xf32> to vector<16xf32>
        %swap3A_107 = vector.shape_cast %select_n3A_102 : vector<16xf32> to vector<1x16xf32>
        tpu.vector_store %arg7[%swap3A_103, %swap3A_104], %swap3A_107 {strides = array<i32>} : memref<128x128xf32, #tpu.memory_space<vmem>>, vector<1x16xf32>,
        %get3A_108 = arith.index_cast %scan3A_16 : i32 to index
        %get3A_109 = arith.constant 80 : index
        %get3A_110 = tpu.vector_load %arg5[%get3A_108, %get3A_109] {strides = array<i32>} : memref<128x128xf32, #tpu.memory_space<vmem>>, vector<1x16xf32>,
        %get3A_111 = vector.shape_cast %get3A_110 : vector<1x16xf32> to vector<16xf32>
        %ge3A_112 = arith.cmpf oge, %get3A_111, %get3A_19 : vector<16xf32>
        %add3A_113 = arith.constant 80 : i32
        %add3A_114 = vector.broadcast %add3A_113 : i32 to vector<16xi32>
        %add3A_115 = arith.addi %iota3A, %add3A_114 : vector<16xi32>
        %eq3A_116 = vector.broadcast %scan3A_16 : i32 to vector<16xi32>
        %eq3A_117 = arith.cmpi eq, %add3A_115, %eq3A_116 : vector<16xi32>
        %or3A_118 = arith.ori %ge3A_112, %eq3A_117 : vector<16xi1>
        %jit3A_119 = arith.constant 0.000000e+00 : f32
        %broadcast_in_dim3A_120 = vector.broadcast %jit3A_119 : f32 to vector<16xf32>
        %select_n3A_121 = arith.select %or3A_118, %get3A_111, %broadcast_in_dim3A_120 : vector<16xi1>, vector<16xf32>
        %swap3A_122 = arith.index_cast %scan3A_16 : i32 to index
        %swap3A_123 = arith.constant 80 : index
        %swap3A_124 = tpu.vector_load %arg7[%swap3A_122, %swap3A_123] {strides = array<i32>} : memref<128x128xf32, #tpu.memory_space<vmem>>, vector<1x16xf32>,
        %swap3A_125 = vector.shape_cast %swap3A_124 : vector<1x16xf32> to vector<16xf32>
        %swap3A_126 = vector.shape_cast %select_n3A_121 : vector<16xf32> to vector<1x16xf32>
        tpu.vector_store %arg7[%swap3A_122, %swap3A_123], %swap3A_126 {strides = array<i32>} : memref<128x128xf32, #tpu.memory_space<vmem>>, vector<1x16xf32>,
        %get3A_127 = arith.index_cast %scan3A_16 : i32 to index
        %get3A_128 = arith.constant 96 : index
        %get3A_129 = tpu.vector_load %arg5[%get3A_127, %get3A_128] {strides = array<i32>} : memref<128x128xf32, #tpu.memory_space<vmem>>, vector<1x16xf32>,
        %get3A_130 = vector.shape_cast %get3A_129 : vector<1x16xf32> to vector<16xf32>
        %ge3A_131 = arith.cmpf oge, %get3A_130, %get3A_19 : vector<16xf32>
        %add3A_132 = arith.constant 96 : i32
        %add3A_133 = vector.broadcast %add3A_132 : i32 to vector<16xi32>
        %add3A_134 = arith.addi %iota3A, %add3A_133 : vector<16xi32>
        %eq3A_135 = vector.broadcast %scan3A_16 : i32 to vector<16xi32>
        %eq3A_136 = arith.cmpi eq, %add3A_134, %eq3A_135 : vector<16xi32>
        %or3A_137 = arith.ori %ge3A_131, %eq3A_136 : vector<16xi1>
        %jit3A_138 = arith.constant 0.000000e+00 : f32
        %broadcast_in_dim3A_139 = vector.broadcast %jit3A_138 : f32 to vector<16xf32>
        %select_n3A_140 = arith.select %or3A_137, %get3A_130, %broadcast_in_dim3A_139 : vector<16xi1>, vector<16xf32>
        %swap3A_141 = arith.index_cast %scan3A_16 : i32 to index
        %swap3A_142 = arith.constant 96 : index
        %swap3A_143 = tpu.vector_load %arg7[%swap3A_141, %swap3A_142] {strides = array<i32>} : memref<128x128xf32, #tpu.memory_space<vmem>>, vector<1x16xf32>,
        %swap3A_144 = vector.shape_cast %swap3A_143 : vector<1x16xf32> to vector<16xf32>
        %swap3A_145 = vector.shape_cast %select_n3A_140 : vector<16xf32> to vector<1x16xf32>
        tpu.vector_store %arg7[%swap3A_141, %swap3A_142], %swap3A_145 {strides = array<i32>} : memref<128x128xf32, #tpu.memory_space<vmem>>, vector<1x16xf32>,
        %get3A_146 = arith.index_cast %scan3A_16 : i32 to index
        %get3A_147 = arith.constant 112 : index
        %get3A_148 = tpu.vector_load %arg5[%get3A_146, %get3A_147] {strides = array<i32>} : memref<128x128xf32, #tpu.memory_space<vmem>>, vector<1x16xf32>,
        %get3A_149 = vector.shape_cast %get3A_148 : vector<1x16xf32> to vector<16xf32>
        %ge3A_150 = arith.cmpf oge, %get3A_149, %get3A_19 : vector<16xf32>
        %add3A_151 = arith.constant 112 : i32
        %add3A_152 = vector.broadcast %add3A_151 : i32 to vector<16xi32>
        %add3A_153 = arith.addi %iota3A, %add3A_152 : vector<16xi32>
        %eq3A_154 = vector.broadcast %scan3A_16 : i32 to vector<16xi32>
        %eq3A_155 = arith.cmpi eq, %add3A_153, %eq3A_154 : vector<16xi32>
        %or3A_156 = arith.ori %ge3A_150, %eq3A_155 : vector<16xi1>
        %jit3A_157 = arith.constant 0.000000e+00 : f32
        %broadcast_in_dim3A_158 = vector.broadcast %jit3A_157 : f32 to vector<16xf32>
        %select_n3A_159 = arith.select %or3A_156, %get3A_149, %broadcast_in_dim3A_158 : vector<16xi1>, vector<16xf32>
        %swap3A_160 = arith.index_cast %scan3A_16 : i32 to index
        %swap3A_161 = arith.constant 112 : index
        %swap3A_162 = tpu.vector_load %arg7[%swap3A_160, %swap3A_161] {strides = array<i32>} : memref<128x128xf32, #tpu.memory_space<vmem>>, vector<1x16xf32>,
        %swap3A_163 = vector.shape_cast %swap3A_162 : vector<1x16xf32> to vector<16xf32>
        %swap3A_164 = vector.shape_cast %select_n3A_159 : vector<16xf32> to vector<1x16xf32>
        tpu.vector_store %arg7[%swap3A_160, %swap3A_161], %swap3A_164 {strides = array<i32>} : memref<128x128xf32, #tpu.memory_space<vmem>>, vector<1x16xf32>,
      }
      %scan3A_15 = arith.constant 128 : i32
      "tpu.region"() ({
        %run_scoped3A = tpu.sem_alloc : memref<!tpu.dma_semaphore, #tpu.memory_space<semaphore_mem>>
        %dma_start3A = arith.constant 0 : i32
        %dma_start3A_16 = arith.constant 0 : i32
        %dma_start3A_17 = tpu.memref_slice %arg4[%add3A_9, %dma_start3A, %dma_start3A_16] : memref<2048x128x128xf32, #tpu.memory_space<hbm>> -> memref<1x128x128xf32, #tpu.memory_space<hbm>>
        %dma_start3A_18 = tpu.memref_squeeze %dma_start3A_17 : memref<1x128x128xf32, #tpu.memory_space<hbm>> -> memref<128x128xf32, #tpu.memory_space<hbm>>
        %dma_start3A_19 = arith.constant 0 : i32
        %dma_start3A_20 = arith.constant 0 : i32
        %dma_start3A_21 = tpu.memref_slice %arg4[%add3A_9, %dma_start3A_19, %dma_start3A_20] : memref<2048x128x128xf32, #tpu.memory_space<hbm>> -> memref<1x128x128xf32, #tpu.memory_space<hbm>>
        %dma_start3A_22 = tpu.memref_squeeze %dma_start3A_21 : memref<1x128x128xf32, #tpu.memory_space<hbm>> -> memref<128x128xf32, #tpu.memory_space<hbm>>
        tpu.enqueue_dma source(%arg7 : memref<128x128xf32, #tpu.memory_space<vmem>>) target(%dma_start3A_22 : memref<128x128xf32, #tpu.memory_space<hbm>>) target_semaphore(%run_scoped3A : memref<!tpu.dma_semaphore, #tpu.memory_space<semaphore_mem>>)
        %dma_wait3A = arith.constant 0 : i32
        %dma_wait3A_23 = arith.constant 0 : i32
        %dma_wait3A_24 = tpu.memref_slice %arg4[%add3A_9, %dma_wait3A, %dma_wait3A_23] : memref<2048x128x128xf32, #tpu.memory_space<hbm>> -> memref<1x128x128xf32, #tpu.memory_space<hbm>>
        %dma_wait3A_25 = tpu.memref_squeeze %dma_wait3A_24 : memref<1x128x128xf32, #tpu.memory_space<hbm>> -> memref<128x128xf32, #tpu.memory_space<hbm>>
        %dma_wait3A_26 = arith.constant 0 : i32
        %dma_wait3A_27 = arith.constant 0 : i32
        %dma_wait3A_28 = tpu.memref_slice %arg4[%add3A_9, %dma_wait3A_26, %dma_wait3A_27] : memref<2048x128x128xf32, #tpu.memory_space<hbm>> -> memref<1x128x128xf32, #tpu.memory_space<hbm>>
        %dma_wait3A_29 = tpu.memref_squeeze %dma_wait3A_28 : memref<1x128x128xf32, #tpu.memory_space<hbm>> -> memref<128x128xf32, #tpu.memory_space<hbm>>
        tpu.wait_dma2 semaphore(%run_scoped3A : memref<!tpu.dma_semaphore, #tpu.memory_space<semaphore_mem>>) src(%arg7 : memref<128x128xf32, #tpu.memory_space<vmem>>) dst(%dma_wait3A_29 : memref<128x128xf32, #tpu.memory_space<hbm>>)
        tpu.yield
      }) : () -> ()
    }
    %scan3A_7 = arith.constant 64 : i32
    return
  }
}

module attributes {stable_mosaic.version = 14 : i64} {
  func.func @_tc_body(%arg0: i32, %arg1: i32, %arg2: memref<1x16x2048xf32, #tpu.memory_space<vmem>>, %arg3: memref<16x1x128x128xf32, #tpu.memory_space<vmem>>, %arg4: memref<16x1x128x16xf32, #tpu.memory_space<vmem>>) attributes {dimension_semantics = [#tpu.dimension_semantics<parallel>, #tpu.dimension_semantics<parallel>], iteration_bounds = array<i64: 32, 4>, scalar_prefetch = 0 : i64, scratch_operands = 0 : i64, tpu.core_type = #tpu.core_type<tc>, window_params = [{transform_indices = @transform_0, window_bounds = array<i64: 1, 16, 2048>}, {transform_indices = @transform_1, window_bounds = array<i64: 16, 1, 128, 128>}, {transform_indices = @transform_2, window_bounds = array<i64: 16, 1, 128, 16>}]} {
    %get3A = arith.constant 0 : index
    %get3A_0 = arith.constant 0 : index
    %get3A_1 = arith.constant 0 : index
    %get3A_2 = vector.load %arg2[%get3A, %get3A_0, %get3A_1] : memref<1x16x2048xf32, #tpu.memory_space<vmem>>, vector<1x16x2048xf32>
    %get3A_3 = vector.shape_cast %get3A_2 : vector<1x16x2048xf32> to vector<16x2048xf32>
    %reshape3A = vector.shape_cast %get3A_3 : vector<16x2048xf32> to vector<16x128x16xf32>
    %slice3A = vector.extract_strided_slice %reshape3A {offsets = [0, 0, 0], sizes = [1, 128, 16], strides = [1, 1, 1]} : vector<16x128x16xf32> to vector<1x128x16xf32>
    %squeeze3A = vector.shape_cast %slice3A : vector<1x128x16xf32> to vector<128x16xf32>
    %dot_general3A = arith.constant dense<0.000000e+00> : vector<128x128xf32>
    %dot_general3A_4 = tpu.matmul %squeeze3A, %squeeze3A, %dot_general3A {dimension_numbers = #tpu.dot_dimension_numbers<[1], [1], [0], [0], [0, 0, 1, 0], [], []>, transpose_lhs_hint = false} : vector<128x16xf32>, vector<128x16xf32>, vector<128x128xf32> -> vector<128x128xf32>
    %mul3A = arith.mulf %squeeze3A, %squeeze3A : vector<128x16xf32>
    %reduce_sum3A = arith.constant dense<0.000000e+00> : vector<128xf32>
    %reduce_sum3A_5 = vector.multi_reduction <add>, %mul3A, %reduce_sum3A [1] : vector<128x16xf32> to vector<128xf32>
    %sqrt3A = math.sqrt %reduce_sum3A_5 : vector<128xf32>
    %div3A = arith.constant 1.000000e+00 : f32
    %div3A_6 = vector.broadcast %div3A : f32 to vector<128xf32>
    %div3A_7 = arith.divf %div3A_6, %sqrt3A : vector<128xf32>
    %broadcast_in_dim3A = vector.shape_cast %div3A_7 : vector<128xf32> to vector<128x1xf32>
    %broadcast_in_dim3A_8 = vector.shape_cast %div3A_7 : vector<128xf32> to vector<1x128xf32>
    %mul3A_9 = vector.broadcast %broadcast_in_dim3A : vector<128x1xf32> to vector<128x128xf32>
    %mul3A_10 = vector.broadcast %broadcast_in_dim3A_8 : vector<1x128xf32> to vector<128x128xf32>
    %mul3A_11 = arith.mulf %mul3A_9, %mul3A_10 : vector<128x128xf32>
    %mul3A_12 = arith.mulf %dot_general3A_4, %mul3A_11 : vector<128x128xf32>
    %slice3A_13 = vector.extract_strided_slice %reshape3A {offsets = [1, 0, 0], sizes = [1, 128, 16], strides = [1, 1, 1]} : vector<16x128x16xf32> to vector<1x128x16xf32>
    %squeeze3A_14 = vector.shape_cast %slice3A_13 : vector<1x128x16xf32> to vector<128x16xf32>
    %dot_general3A_15 = arith.constant dense<0.000000e+00> : vector<128x128xf32>
    %dot_general3A_16 = tpu.matmul %squeeze3A_14, %squeeze3A_14, %dot_general3A_15 {dimension_numbers = #tpu.dot_dimension_numbers<[1], [1], [0], [0], [0, 0, 1, 0], [], []>, transpose_lhs_hint = false} : vector<128x16xf32>, vector<128x16xf32>, vector<128x128xf32> -> vector<128x128xf32>
    %mul3A_17 = arith.mulf %squeeze3A_14, %squeeze3A_14 : vector<128x16xf32>
    %reduce_sum3A_18 = arith.constant dense<0.000000e+00> : vector<128xf32>
    %reduce_sum3A_19 = vector.multi_reduction <add>, %mul3A_17, %reduce_sum3A_18 [1] : vector<128x16xf32> to vector<128xf32>
    %sqrt3A_20 = math.sqrt %reduce_sum3A_19 : vector<128xf32>
    %div3A_21 = arith.constant 1.000000e+00 : f32
    %div3A_22 = vector.broadcast %div3A_21 : f32 to vector<128xf32>
    %div3A_23 = arith.divf %div3A_22, %sqrt3A_20 : vector<128xf32>
    %broadcast_in_dim3A_24 = vector.shape_cast %div3A_23 : vector<128xf32> to vector<128x1xf32>
    %broadcast_in_dim3A_25 = vector.shape_cast %div3A_23 : vector<128xf32> to vector<1x128xf32>
    %mul3A_26 = vector.broadcast %broadcast_in_dim3A_24 : vector<128x1xf32> to vector<128x128xf32>
    %mul3A_27 = vector.broadcast %broadcast_in_dim3A_25 : vector<1x128xf32> to vector<128x128xf32>
    %mul3A_28 = arith.mulf %mul3A_26, %mul3A_27 : vector<128x128xf32>
    %mul3A_29 = arith.mulf %dot_general3A_16, %mul3A_28 : vector<128x128xf32>
    %slice3A_30 = vector.extract_strided_slice %reshape3A {offsets = [2, 0, 0], sizes = [1, 128, 16], strides = [1, 1, 1]} : vector<16x128x16xf32> to vector<1x128x16xf32>
    %squeeze3A_31 = vector.shape_cast %slice3A_30 : vector<1x128x16xf32> to vector<128x16xf32>
    %dot_general3A_32 = arith.constant dense<0.000000e+00> : vector<128x128xf32>
    %dot_general3A_33 = tpu.matmul %squeeze3A_31, %squeeze3A_31, %dot_general3A_32 {dimension_numbers = #tpu.dot_dimension_numbers<[1], [1], [0], [0], [0, 0, 1, 0], [], []>, transpose_lhs_hint = false} : vector<128x16xf32>, vector<128x16xf32>, vector<128x128xf32> -> vector<128x128xf32>
    %mul3A_34 = arith.mulf %squeeze3A_31, %squeeze3A_31 : vector<128x16xf32>
    %reduce_sum3A_35 = arith.constant dense<0.000000e+00> : vector<128xf32>
    %reduce_sum3A_36 = vector.multi_reduction <add>, %mul3A_34, %reduce_sum3A_35 [1] : vector<128x16xf32> to vector<128xf32>
    %sqrt3A_37 = math.sqrt %reduce_sum3A_36 : vector<128xf32>
    %div3A_38 = arith.constant 1.000000e+00 : f32
    %div3A_39 = vector.broadcast %div3A_38 : f32 to vector<128xf32>
    %div3A_40 = arith.divf %div3A_39, %sqrt3A_37 : vector<128xf32>
    %broadcast_in_dim3A_41 = vector.shape_cast %div3A_40 : vector<128xf32> to vector<128x1xf32>
    %broadcast_in_dim3A_42 = vector.shape_cast %div3A_40 : vector<128xf32> to vector<1x128xf32>
    %mul3A_43 = vector.broadcast %broadcast_in_dim3A_41 : vector<128x1xf32> to vector<128x128xf32>
    %mul3A_44 = vector.broadcast %broadcast_in_dim3A_42 : vector<1x128xf32> to vector<128x128xf32>
    %mul3A_45 = arith.mulf %mul3A_43, %mul3A_44 : vector<128x128xf32>
    %mul3A_46 = arith.mulf %dot_general3A_33, %mul3A_45 : vector<128x128xf32>
    %slice3A_47 = vector.extract_strided_slice %reshape3A {offsets = [3, 0, 0], sizes = [1, 128, 16], strides = [1, 1, 1]} : vector<16x128x16xf32> to vector<1x128x16xf32>
    %squeeze3A_48 = vector.shape_cast %slice3A_47 : vector<1x128x16xf32> to vector<128x16xf32>
    %dot_general3A_49 = arith.constant dense<0.000000e+00> : vector<128x128xf32>
    %dot_general3A_50 = tpu.matmul %squeeze3A_48, %squeeze3A_48, %dot_general3A_49 {dimension_numbers = #tpu.dot_dimension_numbers<[1], [1], [0], [0], [0, 0, 1, 0], [], []>, transpose_lhs_hint = false} : vector<128x16xf32>, vector<128x16xf32>, vector<128x128xf32> -> vector<128x128xf32>
    %mul3A_51 = arith.mulf %squeeze3A_48, %squeeze3A_48 : vector<128x16xf32>
    %reduce_sum3A_52 = arith.constant dense<0.000000e+00> : vector<128xf32>
    %reduce_sum3A_53 = vector.multi_reduction <add>, %mul3A_51, %reduce_sum3A_52 [1] : vector<128x16xf32> to vector<128xf32>
    %sqrt3A_54 = math.sqrt %reduce_sum3A_53 : vector<128xf32>
    %div3A_55 = arith.constant 1.000000e+00 : f32
    %div3A_56 = vector.broadcast %div3A_55 : f32 to vector<128xf32>
    %div3A_57 = arith.divf %div3A_56, %sqrt3A_54 : vector<128xf32>
    %broadcast_in_dim3A_58 = vector.shape_cast %div3A_57 : vector<128xf32> to vector<128x1xf32>
    %broadcast_in_dim3A_59 = vector.shape_cast %div3A_57 : vector<128xf32> to vector<1x128xf32>
    %mul3A_60 = vector.broadcast %broadcast_in_dim3A_58 : vector<128x1xf32> to vector<128x128xf32>
    %mul3A_61 = vector.broadcast %broadcast_in_dim3A_59 : vector<1x128xf32> to vector<128x128xf32>
    %mul3A_62 = arith.mulf %mul3A_60, %mul3A_61 : vector<128x128xf32>
    %mul3A_63 = arith.mulf %dot_general3A_50, %mul3A_62 : vector<128x128xf32>
    %slice3A_64 = vector.extract_strided_slice %reshape3A {offsets = [4, 0, 0], sizes = [1, 128, 16], strides = [1, 1, 1]} : vector<16x128x16xf32> to vector<1x128x16xf32>
    %squeeze3A_65 = vector.shape_cast %slice3A_64 : vector<1x128x16xf32> to vector<128x16xf32>
    %dot_general3A_66 = arith.constant dense<0.000000e+00> : vector<128x128xf32>
    %dot_general3A_67 = tpu.matmul %squeeze3A_65, %squeeze3A_65, %dot_general3A_66 {dimension_numbers = #tpu.dot_dimension_numbers<[1], [1], [0], [0], [0, 0, 1, 0], [], []>, transpose_lhs_hint = false} : vector<128x16xf32>, vector<128x16xf32>, vector<128x128xf32> -> vector<128x128xf32>
    %mul3A_68 = arith.mulf %squeeze3A_65, %squeeze3A_65 : vector<128x16xf32>
    %reduce_sum3A_69 = arith.constant dense<0.000000e+00> : vector<128xf32>
    %reduce_sum3A_70 = vector.multi_reduction <add>, %mul3A_68, %reduce_sum3A_69 [1] : vector<128x16xf32> to vector<128xf32>
    %sqrt3A_71 = math.sqrt %reduce_sum3A_70 : vector<128xf32>
    %div3A_72 = arith.constant 1.000000e+00 : f32
    %div3A_73 = vector.broadcast %div3A_72 : f32 to vector<128xf32>
    %div3A_74 = arith.divf %div3A_73, %sqrt3A_71 : vector<128xf32>
    %broadcast_in_dim3A_75 = vector.shape_cast %div3A_74 : vector<128xf32> to vector<128x1xf32>
    %broadcast_in_dim3A_76 = vector.shape_cast %div3A_74 : vector<128xf32> to vector<1x128xf32>
    %mul3A_77 = vector.broadcast %broadcast_in_dim3A_75 : vector<128x1xf32> to vector<128x128xf32>
    %mul3A_78 = vector.broadcast %broadcast_in_dim3A_76 : vector<1x128xf32> to vector<128x128xf32>
    %mul3A_79 = arith.mulf %mul3A_77, %mul3A_78 : vector<128x128xf32>
    %mul3A_80 = arith.mulf %dot_general3A_67, %mul3A_79 : vector<128x128xf32>
    %slice3A_81 = vector.extract_strided_slice %reshape3A {offsets = [5, 0, 0], sizes = [1, 128, 16], strides = [1, 1, 1]} : vector<16x128x16xf32> to vector<1x128x16xf32>
    %squeeze3A_82 = vector.shape_cast %slice3A_81 : vector<1x128x16xf32> to vector<128x16xf32>
    %dot_general3A_83 = arith.constant dense<0.000000e+00> : vector<128x128xf32>
    %dot_general3A_84 = tpu.matmul %squeeze3A_82, %squeeze3A_82, %dot_general3A_83 {dimension_numbers = #tpu.dot_dimension_numbers<[1], [1], [0], [0], [0, 0, 1, 0], [], []>, transpose_lhs_hint = false} : vector<128x16xf32>, vector<128x16xf32>, vector<128x128xf32> -> vector<128x128xf32>
    %mul3A_85 = arith.mulf %squeeze3A_82, %squeeze3A_82 : vector<128x16xf32>
    %reduce_sum3A_86 = arith.constant dense<0.000000e+00> : vector<128xf32>
    %reduce_sum3A_87 = vector.multi_reduction <add>, %mul3A_85, %reduce_sum3A_86 [1] : vector<128x16xf32> to vector<128xf32>
    %sqrt3A_88 = math.sqrt %reduce_sum3A_87 : vector<128xf32>
    %div3A_89 = arith.constant 1.000000e+00 : f32
    %div3A_90 = vector.broadcast %div3A_89 : f32 to vector<128xf32>
    %div3A_91 = arith.divf %div3A_90, %sqrt3A_88 : vector<128xf32>
    %broadcast_in_dim3A_92 = vector.shape_cast %div3A_91 : vector<128xf32> to vector<128x1xf32>
    %broadcast_in_dim3A_93 = vector.shape_cast %div3A_91 : vector<128xf32> to vector<1x128xf32>
    %mul3A_94 = vector.broadcast %broadcast_in_dim3A_92 : vector<128x1xf32> to vector<128x128xf32>
    %mul3A_95 = vector.broadcast %broadcast_in_dim3A_93 : vector<1x128xf32> to vector<128x128xf32>
    %mul3A_96 = arith.mulf %mul3A_94, %mul3A_95 : vector<128x128xf32>
    %mul3A_97 = arith.mulf %dot_general3A_84, %mul3A_96 : vector<128x128xf32>
    %slice3A_98 = vector.extract_strided_slice %reshape3A {offsets = [6, 0, 0], sizes = [1, 128, 16], strides = [1, 1, 1]} : vector<16x128x16xf32> to vector<1x128x16xf32>
    %squeeze3A_99 = vector.shape_cast %slice3A_98 : vector<1x128x16xf32> to vector<128x16xf32>
    %dot_general3A_100 = arith.constant dense<0.000000e+00> : vector<128x128xf32>
    %dot_general3A_101 = tpu.matmul %squeeze3A_99, %squeeze3A_99, %dot_general3A_100 {dimension_numbers = #tpu.dot_dimension_numbers<[1], [1], [0], [0], [0, 0, 1, 0], [], []>, transpose_lhs_hint = false} : vector<128x16xf32>, vector<128x16xf32>, vector<128x128xf32> -> vector<128x128xf32>
    %mul3A_102 = arith.mulf %squeeze3A_99, %squeeze3A_99 : vector<128x16xf32>
    %reduce_sum3A_103 = arith.constant dense<0.000000e+00> : vector<128xf32>
    %reduce_sum3A_104 = vector.multi_reduction <add>, %mul3A_102, %reduce_sum3A_103 [1] : vector<128x16xf32> to vector<128xf32>
    %sqrt3A_105 = math.sqrt %reduce_sum3A_104 : vector<128xf32>
    %div3A_106 = arith.constant 1.000000e+00 : f32
    %div3A_107 = vector.broadcast %div3A_106 : f32 to vector<128xf32>
    %div3A_108 = arith.divf %div3A_107, %sqrt3A_105 : vector<128xf32>
    %broadcast_in_dim3A_109 = vector.shape_cast %div3A_108 : vector<128xf32> to vector<128x1xf32>
    %broadcast_in_dim3A_110 = vector.shape_cast %div3A_108 : vector<128xf32> to vector<1x128xf32>
    %mul3A_111 = vector.broadcast %broadcast_in_dim3A_109 : vector<128x1xf32> to vector<128x128xf32>
    %mul3A_112 = vector.broadcast %broadcast_in_dim3A_110 : vector<1x128xf32> to vector<128x128xf32>
    %mul3A_113 = arith.mulf %mul3A_111, %mul3A_112 : vector<128x128xf32>
    %mul3A_114 = arith.mulf %dot_general3A_101, %mul3A_113 : vector<128x128xf32>
    %slice3A_115 = vector.extract_strided_slice %reshape3A {offsets = [7, 0, 0], sizes = [1, 128, 16], strides = [1, 1, 1]} : vector<16x128x16xf32> to vector<1x128x16xf32>
    %squeeze3A_116 = vector.shape_cast %slice3A_115 : vector<1x128x16xf32> to vector<128x16xf32>
    %dot_general3A_117 = arith.constant dense<0.000000e+00> : vector<128x128xf32>
    %dot_general3A_118 = tpu.matmul %squeeze3A_116, %squeeze3A_116, %dot_general3A_117 {dimension_numbers = #tpu.dot_dimension_numbers<[1], [1], [0], [0], [0, 0, 1, 0], [], []>, transpose_lhs_hint = false} : vector<128x16xf32>, vector<128x16xf32>, vector<128x128xf32> -> vector<128x128xf32>
    %mul3A_119 = arith.mulf %squeeze3A_116, %squeeze3A_116 : vector<128x16xf32>
    %reduce_sum3A_120 = arith.constant dense<0.000000e+00> : vector<128xf32>
    %reduce_sum3A_121 = vector.multi_reduction <add>, %mul3A_119, %reduce_sum3A_120 [1] : vector<128x16xf32> to vector<128xf32>
    %sqrt3A_122 = math.sqrt %reduce_sum3A_121 : vector<128xf32>
    %div3A_123 = arith.constant 1.000000e+00 : f32
    %div3A_124 = vector.broadcast %div3A_123 : f32 to vector<128xf32>
    %div3A_125 = arith.divf %div3A_124, %sqrt3A_122 : vector<128xf32>
    %broadcast_in_dim3A_126 = vector.shape_cast %div3A_125 : vector<128xf32> to vector<128x1xf32>
    %broadcast_in_dim3A_127 = vector.shape_cast %div3A_125 : vector<128xf32> to vector<1x128xf32>
    %mul3A_128 = vector.broadcast %broadcast_in_dim3A_126 : vector<128x1xf32> to vector<128x128xf32>
    %mul3A_129 = vector.broadcast %broadcast_in_dim3A_127 : vector<1x128xf32> to vector<128x128xf32>
    %mul3A_130 = arith.mulf %mul3A_128, %mul3A_129 : vector<128x128xf32>
    %mul3A_131 = arith.mulf %dot_general3A_118, %mul3A_130 : vector<128x128xf32>
    %slice3A_132 = vector.extract_strided_slice %reshape3A {offsets = [8, 0, 0], sizes = [1, 128, 16], strides = [1, 1, 1]} : vector<16x128x16xf32> to vector<1x128x16xf32>
    %squeeze3A_133 = vector.shape_cast %slice3A_132 : vector<1x128x16xf32> to vector<128x16xf32>
    %dot_general3A_134 = arith.constant dense<0.000000e+00> : vector<128x128xf32>
    %dot_general3A_135 = tpu.matmul %squeeze3A_133, %squeeze3A_133, %dot_general3A_134 {dimension_numbers = #tpu.dot_dimension_numbers<[1], [1], [0], [0], [0, 0, 1, 0], [], []>, transpose_lhs_hint = false} : vector<128x16xf32>, vector<128x16xf32>, vector<128x128xf32> -> vector<128x128xf32>
    %mul3A_136 = arith.mulf %squeeze3A_133, %squeeze3A_133 : vector<128x16xf32>
    %reduce_sum3A_137 = arith.constant dense<0.000000e+00> : vector<128xf32>
    %reduce_sum3A_138 = vector.multi_reduction <add>, %mul3A_136, %reduce_sum3A_137 [1] : vector<128x16xf32> to vector<128xf32>
    %sqrt3A_139 = math.sqrt %reduce_sum3A_138 : vector<128xf32>
    %div3A_140 = arith.constant 1.000000e+00 : f32
    %div3A_141 = vector.broadcast %div3A_140 : f32 to vector<128xf32>
    %div3A_142 = arith.divf %div3A_141, %sqrt3A_139 : vector<128xf32>
    %broadcast_in_dim3A_143 = vector.shape_cast %div3A_142 : vector<128xf32> to vector<128x1xf32>
    %broadcast_in_dim3A_144 = vector.shape_cast %div3A_142 : vector<128xf32> to vector<1x128xf32>
    %mul3A_145 = vector.broadcast %broadcast_in_dim3A_143 : vector<128x1xf32> to vector<128x128xf32>
    %mul3A_146 = vector.broadcast %broadcast_in_dim3A_144 : vector<1x128xf32> to vector<128x128xf32>
    %mul3A_147 = arith.mulf %mul3A_145, %mul3A_146 : vector<128x128xf32>
    %mul3A_148 = arith.mulf %dot_general3A_135, %mul3A_147 : vector<128x128xf32>
    %slice3A_149 = vector.extract_strided_slice %reshape3A {offsets = [9, 0, 0], sizes = [1, 128, 16], strides = [1, 1, 1]} : vector<16x128x16xf32> to vector<1x128x16xf32>
    %squeeze3A_150 = vector.shape_cast %slice3A_149 : vector<1x128x16xf32> to vector<128x16xf32>
    %dot_general3A_151 = arith.constant dense<0.000000e+00> : vector<128x128xf32>
    %dot_general3A_152 = tpu.matmul %squeeze3A_150, %squeeze3A_150, %dot_general3A_151 {dimension_numbers = #tpu.dot_dimension_numbers<[1], [1], [0], [0], [0, 0, 1, 0], [], []>, transpose_lhs_hint = false} : vector<128x16xf32>, vector<128x16xf32>, vector<128x128xf32> -> vector<128x128xf32>
    %mul3A_153 = arith.mulf %squeeze3A_150, %squeeze3A_150 : vector<128x16xf32>
    %reduce_sum3A_154 = arith.constant dense<0.000000e+00> : vector<128xf32>
    %reduce_sum3A_155 = vector.multi_reduction <add>, %mul3A_153, %reduce_sum3A_154 [1] : vector<128x16xf32> to vector<128xf32>
    %sqrt3A_156 = math.sqrt %reduce_sum3A_155 : vector<128xf32>
    %div3A_157 = arith.constant 1.000000e+00 : f32
    %div3A_158 = vector.broadcast %div3A_157 : f32 to vector<128xf32>
    %div3A_159 = arith.divf %div3A_158, %sqrt3A_156 : vector<128xf32>
    %broadcast_in_dim3A_160 = vector.shape_cast %div3A_159 : vector<128xf32> to vector<128x1xf32>
    %broadcast_in_dim3A_161 = vector.shape_cast %div3A_159 : vector<128xf32> to vector<1x128xf32>
    %mul3A_162 = vector.broadcast %broadcast_in_dim3A_160 : vector<128x1xf32> to vector<128x128xf32>
    %mul3A_163 = vector.broadcast %broadcast_in_dim3A_161 : vector<1x128xf32> to vector<128x128xf32>
    %mul3A_164 = arith.mulf %mul3A_162, %mul3A_163 : vector<128x128xf32>
    %mul3A_165 = arith.mulf %dot_general3A_152, %mul3A_164 : vector<128x128xf32>
    %slice3A_166 = vector.extract_strided_slice %reshape3A {offsets = [10, 0, 0], sizes = [1, 128, 16], strides = [1, 1, 1]} : vector<16x128x16xf32> to vector<1x128x16xf32>
    %squeeze3A_167 = vector.shape_cast %slice3A_166 : vector<1x128x16xf32> to vector<128x16xf32>
    %dot_general3A_168 = arith.constant dense<0.000000e+00> : vector<128x128xf32>
    %dot_general3A_169 = tpu.matmul %squeeze3A_167, %squeeze3A_167, %dot_general3A_168 {dimension_numbers = #tpu.dot_dimension_numbers<[1], [1], [0], [0], [0, 0, 1, 0], [], []>, transpose_lhs_hint = false} : vector<128x16xf32>, vector<128x16xf32>, vector<128x128xf32> -> vector<128x128xf32>
    %mul3A_170 = arith.mulf %squeeze3A_167, %squeeze3A_167 : vector<128x16xf32>
    %reduce_sum3A_171 = arith.constant dense<0.000000e+00> : vector<128xf32>
    %reduce_sum3A_172 = vector.multi_reduction <add>, %mul3A_170, %reduce_sum3A_171 [1] : vector<128x16xf32> to vector<128xf32>
    %sqrt3A_173 = math.sqrt %reduce_sum3A_172 : vector<128xf32>
    %div3A_174 = arith.constant 1.000000e+00 : f32
    %div3A_175 = vector.broadcast %div3A_174 : f32 to vector<128xf32>
    %div3A_176 = arith.divf %div3A_175, %sqrt3A_173 : vector<128xf32>
    %broadcast_in_dim3A_177 = vector.shape_cast %div3A_176 : vector<128xf32> to vector<128x1xf32>
    %broadcast_in_dim3A_178 = vector.shape_cast %div3A_176 : vector<128xf32> to vector<1x128xf32>
    %mul3A_179 = vector.broadcast %broadcast_in_dim3A_177 : vector<128x1xf32> to vector<128x128xf32>
    %mul3A_180 = vector.broadcast %broadcast_in_dim3A_178 : vector<1x128xf32> to vector<128x128xf32>
    %mul3A_181 = arith.mulf %mul3A_179, %mul3A_180 : vector<128x128xf32>
    %mul3A_182 = arith.mulf %dot_general3A_169, %mul3A_181 : vector<128x128xf32>
    %slice3A_183 = vector.extract_strided_slice %reshape3A {offsets = [11, 0, 0], sizes = [1, 128, 16], strides = [1, 1, 1]} : vector<16x128x16xf32> to vector<1x128x16xf32>
    %squeeze3A_184 = vector.shape_cast %slice3A_183 : vector<1x128x16xf32> to vector<128x16xf32>
    %dot_general3A_185 = arith.constant dense<0.000000e+00> : vector<128x128xf32>
    %dot_general3A_186 = tpu.matmul %squeeze3A_184, %squeeze3A_184, %dot_general3A_185 {dimension_numbers = #tpu.dot_dimension_numbers<[1], [1], [0], [0], [0, 0, 1, 0], [], []>, transpose_lhs_hint = false} : vector<128x16xf32>, vector<128x16xf32>, vector<128x128xf32> -> vector<128x128xf32>
    %mul3A_187 = arith.mulf %squeeze3A_184, %squeeze3A_184 : vector<128x16xf32>
    %reduce_sum3A_188 = arith.constant dense<0.000000e+00> : vector<128xf32>
    %reduce_sum3A_189 = vector.multi_reduction <add>, %mul3A_187, %reduce_sum3A_188 [1] : vector<128x16xf32> to vector<128xf32>
    %sqrt3A_190 = math.sqrt %reduce_sum3A_189 : vector<128xf32>
    %div3A_191 = arith.constant 1.000000e+00 : f32
    %div3A_192 = vector.broadcast %div3A_191 : f32 to vector<128xf32>
    %div3A_193 = arith.divf %div3A_192, %sqrt3A_190 : vector<128xf32>
    %broadcast_in_dim3A_194 = vector.shape_cast %div3A_193 : vector<128xf32> to vector<128x1xf32>
    %broadcast_in_dim3A_195 = vector.shape_cast %div3A_193 : vector<128xf32> to vector<1x128xf32>
    %mul3A_196 = vector.broadcast %broadcast_in_dim3A_194 : vector<128x1xf32> to vector<128x128xf32>
    %mul3A_197 = vector.broadcast %broadcast_in_dim3A_195 : vector<1x128xf32> to vector<128x128xf32>
    %mul3A_198 = arith.mulf %mul3A_196, %mul3A_197 : vector<128x128xf32>
    %mul3A_199 = arith.mulf %dot_general3A_186, %mul3A_198 : vector<128x128xf32>
    %slice3A_200 = vector.extract_strided_slice %reshape3A {offsets = [12, 0, 0], sizes = [1, 128, 16], strides = [1, 1, 1]} : vector<16x128x16xf32> to vector<1x128x16xf32>
    %squeeze3A_201 = vector.shape_cast %slice3A_200 : vector<1x128x16xf32> to vector<128x16xf32>
    %dot_general3A_202 = arith.constant dense<0.000000e+00> : vector<128x128xf32>
    %dot_general3A_203 = tpu.matmul %squeeze3A_201, %squeeze3A_201, %dot_general3A_202 {dimension_numbers = #tpu.dot_dimension_numbers<[1], [1], [0], [0], [0, 0, 1, 0], [], []>, transpose_lhs_hint = false} : vector<128x16xf32>, vector<128x16xf32>, vector<128x128xf32> -> vector<128x128xf32>
    %mul3A_204 = arith.mulf %squeeze3A_201, %squeeze3A_201 : vector<128x16xf32>
    %reduce_sum3A_205 = arith.constant dense<0.000000e+00> : vector<128xf32>
    %reduce_sum3A_206 = vector.multi_reduction <add>, %mul3A_204, %reduce_sum3A_205 [1] : vector<128x16xf32> to vector<128xf32>
    %sqrt3A_207 = math.sqrt %reduce_sum3A_206 : vector<128xf32>
    %div3A_208 = arith.constant 1.000000e+00 : f32
    %div3A_209 = vector.broadcast %div3A_208 : f32 to vector<128xf32>
    %div3A_210 = arith.divf %div3A_209, %sqrt3A_207 : vector<128xf32>
    %broadcast_in_dim3A_211 = vector.shape_cast %div3A_210 : vector<128xf32> to vector<128x1xf32>
    %broadcast_in_dim3A_212 = vector.shape_cast %div3A_210 : vector<128xf32> to vector<1x128xf32>
    %mul3A_213 = vector.broadcast %broadcast_in_dim3A_211 : vector<128x1xf32> to vector<128x128xf32>
    %mul3A_214 = vector.broadcast %broadcast_in_dim3A_212 : vector<1x128xf32> to vector<128x128xf32>
    %mul3A_215 = arith.mulf %mul3A_213, %mul3A_214 : vector<128x128xf32>
    %mul3A_216 = arith.mulf %dot_general3A_203, %mul3A_215 : vector<128x128xf32>
    %slice3A_217 = vector.extract_strided_slice %reshape3A {offsets = [13, 0, 0], sizes = [1, 128, 16], strides = [1, 1, 1]} : vector<16x128x16xf32> to vector<1x128x16xf32>
    %squeeze3A_218 = vector.shape_cast %slice3A_217 : vector<1x128x16xf32> to vector<128x16xf32>
    %dot_general3A_219 = arith.constant dense<0.000000e+00> : vector<128x128xf32>
    %dot_general3A_220 = tpu.matmul %squeeze3A_218, %squeeze3A_218, %dot_general3A_219 {dimension_numbers = #tpu.dot_dimension_numbers<[1], [1], [0], [0], [0, 0, 1, 0], [], []>, transpose_lhs_hint = false} : vector<128x16xf32>, vector<128x16xf32>, vector<128x128xf32> -> vector<128x128xf32>
    %mul3A_221 = arith.mulf %squeeze3A_218, %squeeze3A_218 : vector<128x16xf32>
    %reduce_sum3A_222 = arith.constant dense<0.000000e+00> : vector<128xf32>
    %reduce_sum3A_223 = vector.multi_reduction <add>, %mul3A_221, %reduce_sum3A_222 [1] : vector<128x16xf32> to vector<128xf32>
    %sqrt3A_224 = math.sqrt %reduce_sum3A_223 : vector<128xf32>
    %div3A_225 = arith.constant 1.000000e+00 : f32
    %div3A_226 = vector.broadcast %div3A_225 : f32 to vector<128xf32>
    %div3A_227 = arith.divf %div3A_226, %sqrt3A_224 : vector<128xf32>
    %broadcast_in_dim3A_228 = vector.shape_cast %div3A_227 : vector<128xf32> to vector<128x1xf32>
    %broadcast_in_dim3A_229 = vector.shape_cast %div3A_227 : vector<128xf32> to vector<1x128xf32>
    %mul3A_230 = vector.broadcast %broadcast_in_dim3A_228 : vector<128x1xf32> to vector<128x128xf32>
    %mul3A_231 = vector.broadcast %broadcast_in_dim3A_229 : vector<1x128xf32> to vector<128x128xf32>
    %mul3A_232 = arith.mulf %mul3A_230, %mul3A_231 : vector<128x128xf32>
    %mul3A_233 = arith.mulf %dot_general3A_220, %mul3A_232 : vector<128x128xf32>
    %slice3A_234 = vector.extract_strided_slice %reshape3A {offsets = [14, 0, 0], sizes = [1, 128, 16], strides = [1, 1, 1]} : vector<16x128x16xf32> to vector<1x128x16xf32>
    %squeeze3A_235 = vector.shape_cast %slice3A_234 : vector<1x128x16xf32> to vector<128x16xf32>
    %dot_general3A_236 = arith.constant dense<0.000000e+00> : vector<128x128xf32>
    %dot_general3A_237 = tpu.matmul %squeeze3A_235, %squeeze3A_235, %dot_general3A_236 {dimension_numbers = #tpu.dot_dimension_numbers<[1], [1], [0], [0], [0, 0, 1, 0], [], []>, transpose_lhs_hint = false} : vector<128x16xf32>, vector<128x16xf32>, vector<128x128xf32> -> vector<128x128xf32>
    %mul3A_238 = arith.mulf %squeeze3A_235, %squeeze3A_235 : vector<128x16xf32>
    %reduce_sum3A_239 = arith.constant dense<0.000000e+00> : vector<128xf32>
    %reduce_sum3A_240 = vector.multi_reduction <add>, %mul3A_238, %reduce_sum3A_239 [1] : vector<128x16xf32> to vector<128xf32>
    %sqrt3A_241 = math.sqrt %reduce_sum3A_240 : vector<128xf32>
    %div3A_242 = arith.constant 1.000000e+00 : f32
    %div3A_243 = vector.broadcast %div3A_242 : f32 to vector<128xf32>
    %div3A_244 = arith.divf %div3A_243, %sqrt3A_241 : vector<128xf32>
    %broadcast_in_dim3A_245 = vector.shape_cast %div3A_244 : vector<128xf32> to vector<128x1xf32>
    %broadcast_in_dim3A_246 = vector.shape_cast %div3A_244 : vector<128xf32> to vector<1x128xf32>
    %mul3A_247 = vector.broadcast %broadcast_in_dim3A_245 : vector<128x1xf32> to vector<128x128xf32>
    %mul3A_248 = vector.broadcast %broadcast_in_dim3A_246 : vector<1x128xf32> to vector<128x128xf32>
    %mul3A_249 = arith.mulf %mul3A_247, %mul3A_248 : vector<128x128xf32>
    %mul3A_250 = arith.mulf %dot_general3A_237, %mul3A_249 : vector<128x128xf32>
    %slice3A_251 = vector.extract_strided_slice %reshape3A {offsets = [15, 0, 0], sizes = [1, 128, 16], strides = [1, 1, 1]} : vector<16x128x16xf32> to vector<1x128x16xf32>
    %squeeze3A_252 = vector.shape_cast %slice3A_251 : vector<1x128x16xf32> to vector<128x16xf32>
    %dot_general3A_253 = arith.constant dense<0.000000e+00> : vector<128x128xf32>
    %dot_general3A_254 = tpu.matmul %squeeze3A_252, %squeeze3A_252, %dot_general3A_253 {dimension_numbers = #tpu.dot_dimension_numbers<[1], [1], [0], [0], [0, 0, 1, 0], [], []>, transpose_lhs_hint = false} : vector<128x16xf32>, vector<128x16xf32>, vector<128x128xf32> -> vector<128x128xf32>
    %mul3A_255 = arith.mulf %squeeze3A_252, %squeeze3A_252 : vector<128x16xf32>
    %reduce_sum3A_256 = arith.constant dense<0.000000e+00> : vector<128xf32>
    %reduce_sum3A_257 = vector.multi_reduction <add>, %mul3A_255, %reduce_sum3A_256 [1] : vector<128x16xf32> to vector<128xf32>
    %sqrt3A_258 = math.sqrt %reduce_sum3A_257 : vector<128xf32>
    %div3A_259 = arith.constant 1.000000e+00 : f32
    %div3A_260 = vector.broadcast %div3A_259 : f32 to vector<128xf32>
    %div3A_261 = arith.divf %div3A_260, %sqrt3A_258 : vector<128xf32>
    %broadcast_in_dim3A_262 = vector.shape_cast %div3A_261 : vector<128xf32> to vector<128x1xf32>
    %broadcast_in_dim3A_263 = vector.shape_cast %div3A_261 : vector<128xf32> to vector<1x128xf32>
    %mul3A_264 = vector.broadcast %broadcast_in_dim3A_262 : vector<128x1xf32> to vector<128x128xf32>
    %mul3A_265 = vector.broadcast %broadcast_in_dim3A_263 : vector<1x128xf32> to vector<128x128xf32>
    %mul3A_266 = arith.mulf %mul3A_264, %mul3A_265 : vector<128x128xf32>
    %mul3A_267 = arith.mulf %dot_general3A_254, %mul3A_266 : vector<128x128xf32>
    %stack3A = vector.shape_cast %mul3A_12 : vector<128x128xf32> to vector<1x128x128xf32>
    %stack3A_268 = vector.shape_cast %mul3A_29 : vector<128x128xf32> to vector<1x128x128xf32>
    %stack3A_269 = vector.shape_cast %mul3A_46 : vector<128x128xf32> to vector<1x128x128xf32>
    %stack3A_270 = vector.shape_cast %mul3A_63 : vector<128x128xf32> to vector<1x128x128xf32>
    %stack3A_271 = vector.shape_cast %mul3A_80 : vector<128x128xf32> to vector<1x128x128xf32>
    %stack3A_272 = vector.shape_cast %mul3A_97 : vector<128x128xf32> to vector<1x128x128xf32>
    %stack3A_273 = vector.shape_cast %mul3A_114 : vector<128x128xf32> to vector<1x128x128xf32>
    %stack3A_274 = vector.shape_cast %mul3A_131 : vector<128x128xf32> to vector<1x128x128xf32>
    %stack3A_275 = vector.shape_cast %mul3A_148 : vector<128x128xf32> to vector<1x128x128xf32>
    %stack3A_276 = vector.shape_cast %mul3A_165 : vector<128x128xf32> to vector<1x128x128xf32>
    %stack3A_277 = vector.shape_cast %mul3A_182 : vector<128x128xf32> to vector<1x128x128xf32>
    %stack3A_278 = vector.shape_cast %mul3A_199 : vector<128x128xf32> to vector<1x128x128xf32>
    %stack3A_279 = vector.shape_cast %mul3A_216 : vector<128x128xf32> to vector<1x128x128xf32>
    %stack3A_280 = vector.shape_cast %mul3A_233 : vector<128x128xf32> to vector<1x128x128xf32>
    %stack3A_281 = vector.shape_cast %mul3A_250 : vector<128x128xf32> to vector<1x128x128xf32>
    %stack3A_282 = vector.shape_cast %mul3A_267 : vector<128x128xf32> to vector<1x128x128xf32>
    %stack3A_283 = tpu.concatenate %stack3A, %stack3A_268, %stack3A_269, %stack3A_270, %stack3A_271, %stack3A_272, %stack3A_273, %stack3A_274, %stack3A_275, %stack3A_276, %stack3A_277, %stack3A_278, %stack3A_279, %stack3A_280, %stack3A_281, %stack3A_282 in 0 : vector<1x128x128xf32>, vector<1x128x128xf32>, vector<1x128x128xf32>, vector<1x128x128xf32>, vector<1x128x128xf32>, vector<1x128x128xf32>, vector<1x128x128xf32>, vector<1x128x128xf32>, vector<1x128x128xf32>, vector<1x128x128xf32>, vector<1x128x128xf32>, vector<1x128x128xf32>, vector<1x128x128xf32>, vector<1x128x128xf32>, vector<1x128x128xf32>, vector<1x128x128xf32> -> vector<16x128x128xf32>
    %iota3A = tpu.iota {dimensions = array<i32: 0>} : vector<128x128xi32>
    %iota3A_284 = tpu.iota {dimensions = array<i32: 1>} : vector<128x128xi32>
    %eq3A = arith.cmpi eq, %iota3A, %iota3A_284 : vector<128x128xi32>
    %broadcast_in_dim3A_285 = vector.shape_cast %eq3A : vector<128x128xi1> to vector<1x128x128xi1>
    %jit3A = arith.constant 0xFF800000 : f32
    %broadcast_in_dim3A_286 = vector.shape_cast %broadcast_in_dim3A_285 : vector<1x128x128xi1> to vector<1x128x128xi1>
    %broadcast_in_dim3A_287 = vector.broadcast %broadcast_in_dim3A_286 : vector<1x128x128xi1> to vector<16x128x128xi1>
    %broadcast_in_dim3A_288 = vector.broadcast %jit3A : f32 to vector<16x128x128xf32>
    %select_n3A = arith.select %broadcast_in_dim3A_287, %broadcast_in_dim3A_288, %stack3A_283 : vector<16x128x128xi1>, vector<16x128x128xf32>
    %reduce_max3A = arith.constant dense<0xFF800000> : vector<16x128xf32>
    %reduce_max3A_289 = vector.multi_reduction <maximumf>, %select_n3A, %reduce_max3A [1] : vector<16x128x128xf32> to vector<16x128xf32>
    %broadcast_in_dim3A_290 = vector.shape_cast %reduce_max3A_289 : vector<16x128xf32> to vector<16x1x128xf32>
    %eq3A_291 = vector.broadcast %broadcast_in_dim3A_290 : vector<16x1x128xf32> to vector<16x128x128xf32>
    %eq3A_292 = arith.cmpf oeq, %select_n3A, %eq3A_291 : vector<16x128x128xf32>
    %jit3A_293 = arith.constant 0xFF800000 : f32
    %broadcast_in_dim3A_294 = vector.broadcast %jit3A_293 : f32 to vector<16x128x128xf32>
    %select_n3A_295 = arith.select %eq3A_292, %broadcast_in_dim3A_294, %select_n3A : vector<16x128x128xi1>, vector<16x128x128xf32>
    %reduce_max3A_296 = arith.constant dense<0xFF800000> : vector<16x128xf32>
    %reduce_max3A_297 = vector.multi_reduction <maximumf>, %select_n3A_295, %reduce_max3A_296 [1] : vector<16x128x128xf32> to vector<16x128xf32>
    %broadcast_in_dim3A_298 = vector.shape_cast %reduce_max3A_297 : vector<16x128xf32> to vector<16x1x128xf32>
    %eq3A_299 = vector.broadcast %broadcast_in_dim3A_298 : vector<16x1x128xf32> to vector<16x128x128xf32>
    %eq3A_300 = arith.cmpf oeq, %select_n3A_295, %eq3A_299 : vector<16x128x128xf32>
    %jit3A_301 = arith.constant 0xFF800000 : f32
    %broadcast_in_dim3A_302 = vector.broadcast %jit3A_301 : f32 to vector<16x128x128xf32>
    %select_n3A_303 = arith.select %eq3A_300, %broadcast_in_dim3A_302, %select_n3A_295 : vector<16x128x128xi1>, vector<16x128x128xf32>
    %reduce_max3A_304 = arith.constant dense<0xFF800000> : vector<16x128xf32>
    %reduce_max3A_305 = vector.multi_reduction <maximumf>, %select_n3A_303, %reduce_max3A_304 [1] : vector<16x128x128xf32> to vector<16x128xf32>
    %broadcast_in_dim3A_306 = vector.shape_cast %reduce_max3A_305 : vector<16x128xf32> to vector<16x1x128xf32>
    %eq3A_307 = vector.broadcast %broadcast_in_dim3A_306 : vector<16x1x128xf32> to vector<16x128x128xf32>
    %eq3A_308 = arith.cmpf oeq, %select_n3A_303, %eq3A_307 : vector<16x128x128xf32>
    %jit3A_309 = arith.constant 0xFF800000 : f32
    %broadcast_in_dim3A_310 = vector.broadcast %jit3A_309 : f32 to vector<16x128x128xf32>
    %select_n3A_311 = arith.select %eq3A_308, %broadcast_in_dim3A_310, %select_n3A_303 : vector<16x128x128xi1>, vector<16x128x128xf32>
    %reduce_max3A_312 = arith.constant dense<0xFF800000> : vector<16x128xf32>
    %reduce_max3A_313 = vector.multi_reduction <maximumf>, %select_n3A_311, %reduce_max3A_312 [1] : vector<16x128x128xf32> to vector<16x128xf32>
    %broadcast_in_dim3A_314 = vector.shape_cast %reduce_max3A_313 : vector<16x128xf32> to vector<16x1x128xf32>
    %eq3A_315 = vector.broadcast %broadcast_in_dim3A_314 : vector<16x1x128xf32> to vector<16x128x128xf32>
    %eq3A_316 = arith.cmpf oeq, %select_n3A_311, %eq3A_315 : vector<16x128x128xf32>
    %jit3A_317 = arith.constant 0xFF800000 : f32
    %broadcast_in_dim3A_318 = vector.broadcast %jit3A_317 : f32 to vector<16x128x128xf32>
    %select_n3A_319 = arith.select %eq3A_316, %broadcast_in_dim3A_318, %select_n3A_311 : vector<16x128x128xi1>, vector<16x128x128xf32>
    %reduce_max3A_320 = arith.constant dense<0xFF800000> : vector<16x128xf32>
    %reduce_max3A_321 = vector.multi_reduction <maximumf>, %select_n3A_319, %reduce_max3A_320 [1] : vector<16x128x128xf32> to vector<16x128xf32>
    %broadcast_in_dim3A_322 = vector.shape_cast %reduce_max3A_321 : vector<16x128xf32> to vector<16x1x128xf32>
    %eq3A_323 = vector.broadcast %broadcast_in_dim3A_322 : vector<16x1x128xf32> to vector<16x128x128xf32>
    %eq3A_324 = arith.cmpf oeq, %select_n3A_319, %eq3A_323 : vector<16x128x128xf32>
    %jit3A_325 = arith.constant 0xFF800000 : f32
    %broadcast_in_dim3A_326 = vector.broadcast %jit3A_325 : f32 to vector<16x128x128xf32>
    %select_n3A_327 = arith.select %eq3A_324, %broadcast_in_dim3A_326, %select_n3A_319 : vector<16x128x128xi1>, vector<16x128x128xf32>
    %reduce_max3A_328 = arith.constant dense<0xFF800000> : vector<16x128xf32>
    %reduce_max3A_329 = vector.multi_reduction <maximumf>, %select_n3A_327, %reduce_max3A_328 [1] : vector<16x128x128xf32> to vector<16x128xf32>
    %broadcast_in_dim3A_330 = vector.shape_cast %reduce_max3A_329 : vector<16x128xf32> to vector<16x1x128xf32>
    %eq3A_331 = vector.broadcast %broadcast_in_dim3A_330 : vector<16x1x128xf32> to vector<16x128x128xf32>
    %eq3A_332 = arith.cmpf oeq, %select_n3A_327, %eq3A_331 : vector<16x128x128xf32>
    %jit3A_333 = arith.constant 0xFF800000 : f32
    %broadcast_in_dim3A_334 = vector.broadcast %jit3A_333 : f32 to vector<16x128x128xf32>
    %select_n3A_335 = arith.select %eq3A_332, %broadcast_in_dim3A_334, %select_n3A_327 : vector<16x128x128xi1>, vector<16x128x128xf32>
    %reduce_max3A_336 = arith.constant dense<0xFF800000> : vector<16x128xf32>
    %reduce_max3A_337 = vector.multi_reduction <maximumf>, %select_n3A_335, %reduce_max3A_336 [1] : vector<16x128x128xf32> to vector<16x128xf32>
    %broadcast_in_dim3A_338 = vector.shape_cast %reduce_max3A_337 : vector<16x128xf32> to vector<16x1x128xf32>
    %eq3A_339 = vector.broadcast %broadcast_in_dim3A_338 : vector<16x1x128xf32> to vector<16x128x128xf32>
    %eq3A_340 = arith.cmpf oeq, %select_n3A_335, %eq3A_339 : vector<16x128x128xf32>
    %jit3A_341 = arith.constant 0xFF800000 : f32
    %broadcast_in_dim3A_342 = vector.broadcast %jit3A_341 : f32 to vector<16x128x128xf32>
    %select_n3A_343 = arith.select %eq3A_340, %broadcast_in_dim3A_342, %select_n3A_335 : vector<16x128x128xi1>, vector<16x128x128xf32>
    %reduce_max3A_344 = arith.constant dense<0xFF800000> : vector<16x128xf32>
    %reduce_max3A_345 = vector.multi_reduction <maximumf>, %select_n3A_343, %reduce_max3A_344 [1] : vector<16x128x128xf32> to vector<16x128xf32>
    %broadcast_in_dim3A_346 = vector.shape_cast %reduce_max3A_345 : vector<16x128xf32> to vector<16x1x128xf32>
    %eq3A_347 = vector.broadcast %broadcast_in_dim3A_346 : vector<16x1x128xf32> to vector<16x128x128xf32>
    %eq3A_348 = arith.cmpf oeq, %select_n3A_343, %eq3A_347 : vector<16x128x128xf32>
    %jit3A_349 = arith.constant 0xFF800000 : f32
    %broadcast_in_dim3A_350 = vector.broadcast %jit3A_349 : f32 to vector<16x128x128xf32>
    %select_n3A_351 = arith.select %eq3A_348, %broadcast_in_dim3A_350, %select_n3A_343 : vector<16x128x128xi1>, vector<16x128x128xf32>
    %reduce_max3A_352 = arith.constant dense<0xFF800000> : vector<16x128xf32>
    %reduce_max3A_353 = vector.multi_reduction <maximumf>, %select_n3A_351, %reduce_max3A_352 [1] : vector<16x128x128xf32> to vector<16x128xf32>
    %broadcast_in_dim3A_354 = vector.shape_cast %reduce_max3A_353 : vector<16x128xf32> to vector<16x1x128xf32>
    %eq3A_355 = vector.broadcast %broadcast_in_dim3A_354 : vector<16x1x128xf32> to vector<16x128x128xf32>
    %eq3A_356 = arith.cmpf oeq, %select_n3A_351, %eq3A_355 : vector<16x128x128xf32>
    %jit3A_357 = arith.constant 0xFF800000 : f32
    %broadcast_in_dim3A_358 = vector.broadcast %jit3A_357 : f32 to vector<16x128x128xf32>
    %select_n3A_359 = arith.select %eq3A_356, %broadcast_in_dim3A_358, %select_n3A_351 : vector<16x128x128xi1>, vector<16x128x128xf32>
    %reduce_max3A_360 = arith.constant dense<0xFF800000> : vector<16x128xf32>
    %reduce_max3A_361 = vector.multi_reduction <maximumf>, %select_n3A_359, %reduce_max3A_360 [1] : vector<16x128x128xf32> to vector<16x128xf32>
    %broadcast_in_dim3A_362 = vector.shape_cast %reduce_max3A_361 : vector<16x128xf32> to vector<16x1x128xf32>
    %eq3A_363 = vector.broadcast %broadcast_in_dim3A_362 : vector<16x1x128xf32> to vector<16x128x128xf32>
    %eq3A_364 = arith.cmpf oeq, %select_n3A_359, %eq3A_363 : vector<16x128x128xf32>
    %jit3A_365 = arith.constant 0xFF800000 : f32
    %broadcast_in_dim3A_366 = vector.broadcast %jit3A_365 : f32 to vector<16x128x128xf32>
    %select_n3A_367 = arith.select %eq3A_364, %broadcast_in_dim3A_366, %select_n3A_359 : vector<16x128x128xi1>, vector<16x128x128xf32>
    %reduce_max3A_368 = arith.constant dense<0xFF800000> : vector<16x128xf32>
    %reduce_max3A_369 = vector.multi_reduction <maximumf>, %select_n3A_367, %reduce_max3A_368 [1] : vector<16x128x128xf32> to vector<16x128xf32>
    %broadcast_in_dim3A_370 = vector.shape_cast %reduce_max3A_369 : vector<16x128xf32> to vector<16x1x128xf32>
    %reshape3A_371 = vector.shape_cast %broadcast_in_dim3A_370 : vector<16x1x128xf32> to vector<16x128x1xf32>
    %swap3A = arith.constant 0 : index
    %swap3A_372 = arith.constant 0 : index
    %swap3A_373 = arith.constant 0 : index
    %swap3A_374 = arith.constant 0 : index
    %swap3A_375 = vector.load %arg3[%swap3A, %swap3A_372, %swap3A_373, %swap3A_374] : memref<16x1x128x128xf32, #tpu.memory_space<vmem>>, vector<16x1x128x128xf32>
    %swap3A_376 = vector.shape_cast %swap3A_375 : vector<16x1x128x128xf32> to vector<16x128x128xf32>
    %swap3A_377 = vector.shape_cast %stack3A_283 : vector<16x128x128xf32> to vector<16x1x128x128xf32>
    tpu.vector_store %arg3[%swap3A, %swap3A_372, %swap3A_373, %swap3A_374], %swap3A_377 {strides = array<i32>} : memref<16x1x128x128xf32, #tpu.memory_space<vmem>>, vector<16x1x128x128xf32>,
    %broadcast_in_dim3A_378 = vector.shape_cast %reshape3A_371 : vector<16x128x1xf32> to vector<16x128x1xf32>
    %broadcast_in_dim3A_379 = vector.broadcast %broadcast_in_dim3A_378 : vector<16x128x1xf32> to vector<16x128x16xf32>
    %swap3A_380 = arith.constant 0 : index
    %swap3A_381 = arith.constant 0 : index
    %swap3A_382 = arith.constant 0 : index
    %swap3A_383 = arith.constant 0 : index
    %swap3A_384 = vector.load %arg4[%swap3A_380, %swap3A_381, %swap3A_382, %swap3A_383] : memref<16x1x128x16xf32, #tpu.memory_space<vmem>>, vector<16x1x128x16xf32>
    %swap3A_385 = vector.shape_cast %swap3A_384 : vector<16x1x128x16xf32> to vector<16x128x16xf32>
    %swap3A_386 = vector.shape_cast %broadcast_in_dim3A_379 : vector<16x128x16xf32> to vector<16x1x128x16xf32>
    tpu.vector_store %arg4[%swap3A_380, %swap3A_381, %swap3A_382, %swap3A_383], %swap3A_386 {strides = array<i32>} : memref<16x1x128x16xf32, #tpu.memory_space<vmem>>, vector<16x1x128x16xf32>,
    return
  }
  func.func @transform_0(%arg0: i32, %arg1: i32) -> (i32, i32, i32) {
    %c0_i32 = arith.constant 0 : i32
    %c0_i32_0 = arith.constant 0 : i32
    return %arg0, %arg1, %c0_i32 : i32, i32, i32
  }
  func.func @transform_1(%arg0: i32, %arg1: i32) -> (i32, i32, i32, i32) {
    %c0_i32 = arith.constant 0 : i32
    %c0_i32_0 = arith.constant 0 : i32
    %c0_i32_1 = arith.constant 0 : i32
    return %arg1, %arg0, %c0_i32, %c0_i32_0 : i32, i32, i32, i32
  }
  func.func @transform_2(%arg0: i32, %arg1: i32) -> (i32, i32, i32, i32) {
    %c0_i32 = arith.constant 0 : i32
    %c0_i32_0 = arith.constant 0 : i32
    %c0_i32_1 = arith.constant 0 : i32
    return %arg1, %arg0, %c0_i32, %c0_i32_0 : i32, i32, i32, i32
  }
}

</mosaic_0001>

<sc_bundles>
// kernel: kernel.4.cloned.1.call-start
scs
__scs_entry_jumppad:
0x0: {  	(pc) =	sbr.rel $0x88, $3  }
0x1: {  	(tag) =	ssettag $0x0;
	lr =	simm.s32 $0x1  }
0x2: {  	[smem:$0x3FA0] =	sst lr;
	_ =	strace $0xD0000000  }
0x3: {  	_ = 	snop  }
0x4: {  	_ = 	snop  }
0x5: {  	_ = 	snop  }
0x6: {  	_ = 	snop  }
0x7: {  	_ = 	snop  }
__scs_overlays_trampoline_lowered:
0x8: {  	[smem:$0x3FAF] =	sst s0  }
0x9: {  	[smem:$0x3FB0] =	sst s1  }
0xa: {  	[smem:$0x3FB1] =	sst s2  }
0xb: {  	[smem:$0x3FB2] =	sst s3  }
0xc: {  	[smem:$0x3FB3] =	sst s4  }
0xd: {  	[smem:$0x3FB4] =	sst s5  }
0xe: {  	[smem:$0x3FB5] =	sst s6  }
0xf: {  	[smem:$0x3FB6] =	sst s7  }
0x10: {  	[smem:$0x3FB7] =	sst s8  }
0x11: {  	[smem:$0x3FB8] =	sst s9;
	s0 =	simm.s32 @!p0 $0x0  }
0x12: {  	s1 =	sld [smem:$0x3F9E];
	s0 =	simm.s32 @p0 $0x1  }
0x13: {  	[smem:$0x3FB9] =	sst s0;
	s0 =	simm.s32 @!p1 $0x0  }
0x14: {  	s2 =	sld [smem:$0x3F9D];
	s0 =	simm.s32 @p1 $0x1  }
0x15: {  	[smem:$0x3FBA] =	sst s0;
	s0 =	simm.s32 @!p2 $0x0  }
0x16: {  	s3 =	sld [smem:$0x3FDB];
	s0 =	simm.s32 @p2 $0x1  }
0x17: {  	s4 =	simm.s32 $0x1BF5;
	[smem:$0x3FBC] =	sst s0  }
0x18: {  	s0 =	sld [smem:$0x3F9F];
	_ =	swait.ge [sflag:s4], $0x0  }
0x19: {  	s7 =	sld [smem:$0x3FA0]  }
0x1a: {  	s8 =	sadd.s32 $0xFFFFE003, lr  }
0x1b: {  	s9 =	sadd.s32 $0xFFFFFEF7, lr;
	s5 =	simm.s32 $0xFFFFFFFF;
	p2 =	slt.u32 s8, $0xFFFFF086  }
0x1c: {  	p1 =	slt.u32 s9, $0xF7A;
	s5 =	simm.s32 @!p2 $0x0  }
0x1d: {  	s5 =	simm.s32 @p1 $0x1;
	p0 =	seq.s32 s7, s2  }
0x1e: {  	s7 =	smul.u32 @!p0 $0xF7A, s2;
	p2 =	seq.s32 @!p0 s5, $0x0  }
0x1f: {  	s9 =	smul.u32 $0xF7A, s1;
	s8 =	simm.s32 @!p0 $0x1BF5;
	p2 =	por !p2, p0  }
0x20: {  	[sflag:s8] =	ssyncset.s32 @!p0 $0xFFFFF086;
	s6 =	sadd.s32 @!p0 s3, s7;
	s7 =	simm.s32 @!p0 $0x108  }
0x21: {  	s3 =	sadd.s32 s3, s9;
	s6 =	sadd.s32 @!p0 $0x88, s6;
	s7 =	simm.s32 @p2 $0x1082  }
0x22: {  	[simem:s7], [sflag:s8] =	dma.local @!p0 [hbm:s6], $0xF7A  }
0x23: {  	s9 =	sor.u32 $0xD0000000, s2;
	s6 =	simm.s32 $0x108;
	_ =	swait.ge @!p0 [sflag:s8], $0x0  }
0x24: {  	s3 =	sadd.s32 $0x88, s3;
	s6 =	simm.s32 @!p1 $0x1082;
	[sflag:s4] =	ssyncset.s32 $0xFFFFF086  }
0x25: {  	[simem:s6], [sflag:s4] =	dma.local [hbm:s3], $0xF7A  }
0x26: {  	[smem:$0x3FA0] =	sst s1;
	(tag) =	ssettag s2;
	_ =	strace s9  }
0x27: {  	s1 =	sld [smem:$0x3FB0]  }
0x28: {  	s2 =	sld [smem:$0x3FB1]  }
0x29: {  	s4 =	sld [smem:$0x3FB3]  }
0x2a: {  	p0 =	seq.s32 s5, $0x0;
	s5 =	sld [smem:$0x3FB4]  }
0x2b: {  	s6 =	sld [smem:$0x3FB5]  }
0x2c: {  	s7 =	sld [smem:$0x3FB6]  }
0x2d: {  	s3 =	simm.s32 $0x108;
	s8 =	sld [smem:$0x3FB7]  }
0x2e: {  	s3 =	simm.s32 @!p0 $0x1082;
	s9 =	sld [smem:$0x3FB8]  }
0x2f: {  	lr =	sadd.s32 s0, s3;
	s0 =	sld [smem:$0x3FAF]  }
0x30: {  	s3 =	sld [smem:$0x3FB2]  }
0x31: {  	[smem:$0x3FBB] =	sst s10  }
0x32: {  	s10 =	sld [smem:$0x3FB9];
	_ =	sdelay $0x3  }
0x33: {  	p0 =	seq.s32 s10, $0x1;
	s10 =	sld [smem:$0x3FBB];
	_ =	sdelay $0x3  }
0x34: {  	[smem:$0x3FBB] =	sst s10  }
0x35: {  	s10 =	sld [smem:$0x3FBA];
	_ =	sdelay $0x3  }
0x36: {  	p1 =	seq.s32 s10, $0x1;
	s10 =	sld [smem:$0x3FBB];
	_ =	sdelay $0x3  }
0x37: {  	[smem:$0x3FBB] =	sst s10  }
0x38: {  	s10 =	sld [smem:$0x3FBC]  }
0x39: {  	_ = 	snop;
	(pc) =	sbr.ind lr, $3  }
0x3a: {  	_ = 	snop  }
0x3b: {  	_ = 	snop  }
0x3c: {  	p2 =	seq.s32 s10, $0x1;
	s10 =	sld [smem:$0x3FBB]  }
0x3d: {  	_ =	shalt  }
0x3e: {  	_ =	shalt  }
0x3f: {  	_ =	shalt  }
0x40: {  	_ =	shalt  }
0x41: {  	_ =	shalt  }
0x42: {  	_ =	shalt  }
0x43: {  	_ =	shalt  }
0x44: {  	_ =	shalt  }
0x45: {  	_ =	shalt  }
0x46: {  	_ =	shalt  }
0x47: {  	_ =	shalt  }
0x48: {  	_ =	shalt  }
0x49: {  	_ =	shalt  }
0x4a: {  	_ =	shalt  }
0x4b: {  	_ =	shalt  }
0x4c: {  	_ =	shalt  }
0x4d: {  	_ =	shalt  }
0x4e: {  	_ =	shalt  }
0x4f: {  	_ =	shalt  }
0x50: {  	_ =	shalt  }
0x51: {  	_ =	shalt  }
0x52: {  	_ =	shalt  }
0x53: {  	_ =	shalt  }
0x54: {  	_ =	shalt  }
0x55: {  	_ =	shalt  }
0x56: {  	_ =	shalt  }
0x57: {  	_ =	shalt  }
0x58: {  	_ =	shalt  }
0x59: {  	_ =	shalt  }
0x5a: {  	_ =	shalt  }
0x5b: {  	_ =	shalt  }
0x5c: {  	_ =	shalt  }
0x5d: {  	_ =	shalt  }
0x5e: {  	_ =	shalt  }
0x5f: {  	_ =	shalt  }
0x60: {  	_ =	shalt  }
0x61: {  	_ =	shalt  }
0x62: {  	_ =	shalt  }
0x63: {  	_ =	shalt  }
0x64: {  	_ =	shalt  }
0x65: {  	_ =	shalt  }
0x66: {  	_ =	shalt  }
0x67: {  	_ =	shalt  }
0x68: {  	_ =	shalt  }
0x69: {  	_ =	shalt  }
0x6a: {  	_ =	shalt  }
0x6b: {  	_ =	shalt  }
0x6c: {  	_ =	shalt  }
0x6d: {  	_ =	shalt  }
0x6e: {  	_ =	shalt  }
0x6f: {  	_ =	shalt  }
0x70: {  	_ =	shalt  }
0x71: {  	_ =	shalt  }
0x72: {  	_ =	shalt  }
0x73: {  	_ =	shalt  }
0x74: {  	_ =	shalt  }
0x75: {  	_ =	shalt  }
0x76: {  	_ =	shalt  }
0x77: {  	_ =	shalt  }
0x78: {  	_ =	shalt  }
0x79: {  	_ =	shalt  }
0x7a: {  	_ =	shalt  }
0x7b: {  	_ =	shalt  }
0x7c: {  	_ =	shalt  }
0x7d: {  	_ =	shalt  }
0x7e: {  	_ =	shalt  }
0x7f: {  	_ =	shalt  }
0x80: {  	_ =	shalt  }
0x81: {  	_ =	shalt  }
0x82: {  	_ =	shalt  }
0x83: {  	_ =	shalt  }
0x84: {  	_ =	shalt  }
0x85: {  	_ =	shalt  }
0x86: {  	_ =	shalt  }
0x87: {  	_ =	shalt  }
.Lfunc_end0:
.L_simem_size_0:
called_computation_lowered:
.L_overlay_start_0:
0x88: {  	s2 =	sld [smem:$0x3FD9]  }
0x89: {  	s3 =	sld [smem:$0x3FFE];
	_ =	sdelay $0x1  }
0x8a: {  	s1 =	srdreg.scid  }
0x8b: {  	s0 =	sand.u32 $0x1, s1  }
0x8c: {  	s17 =	sshll.u32 s0, $0xA;
	s2 =	sadd.s32 s3, s2  }
0x8d: {  	s2 =	sadd.s32 s2, s17  }
0x8e: {  	[smem:$0x3FC7] =	sst s2  }
0x8f: {  	_ = 	snop  }
0x90: {  	s2 =	sld [smem:$0x3FD0];
	(tm) =	ssettm $0x1  }
0x91: {  	s18 =	sld [smem:$0x3FFB];
	_ =	sdelay $0x3  }
0x92: {  	_ =	strace s18  }
0x93: {  	s3 =	sld [smem:$0x3FFC];
	_ =	sdelay $0x3  }
0x94: {  	_ =	strace s3  }
0x95: {  	s3 =	sld [smem:$0x3FFD];
	_ =	sdelay $0x3  }
0x96: {  	_ =	strace s3  }
0x97: {  	_ =	strace $0x8FFFFFFF  }
0x98: {  	s19 =	sld [smem:$0x3FDB];
	_ =	sdelay $0x1  }
0x99: {  	s4 =	simm.s32 $_scs_section_size  }
0x9a: {  	s5 =	simm.s32 $_size__tile_overlayer_lowered;
	s6 =	simm.s32 $_tile_overlayer_lowered  }
0x9b: {  	s22 =	simm.s32 $0x1BFF;
	s21 =	sshll.u32 s6, $0x1;
	s3 =	sadd.s32 s4, s19  }
0x9c: {  	s7 =	simm.s32 $0x0;
	s20 =	sshll.u32 s5, $0x1;
	s5 =	sadd.s32 s21, s3  }
0x9d: {  	[timem:s7], [sflag:s22] =	dma.local [hbm:s5], s20  }
0x9e: {  	_ =	swait.ge [sflag:s22], s20  }
0x9f: {  	s4 =	ssub.s32 $0x0, s20;
	[sflag:s22] =	ssyncset.done $0x0  }
0xa0: {  	[sflag:s22] =	ssyncadd.s32 s4;
	_ =	sdelay $0x1  }
0xa1: {  	s23 =	simm.s32 $0x1B8B  }
0xa2: {  	_ =	swait.ge [sflag:s23], $0x1  }
0xa3: {  	[sflag:s23] =	ssyncset.done $0x0  }
0xa4: {  	s25 =	simm.s32 $0x1B8E;
	s24 =	sld [smem:$0x3FFE];
	[sflag:s23] =	ssyncadd.s32 $0xFFFFFFFF  }
0xa5: {  	s26 =	simm.s32 $execute0_lowered;
	[smem:$0x3FD2] =	sst s25  }
0xa6: {  	s5 =	sshll.u32 s26, $0x1;
	_ =	strace $0x80000046;
	[dreg:$0x1] =	wrdreg $0xFFFFFFFF  }
0xa7: {  	s28 =	simm.s32 $_size_execute0_lowered;
	s3 =	sadd.s32 s3, s5;
	[dreg:$0x0] =	wrdreg $0x0  }
0xa8: {  	s5 =	sshll.u32 s28, $0x1;
	[dreg:$0x2] =	wrdreg s3  }
0xa9: {  	[dreg:$0x3] =	wrdreg s5  }
0xaa: {  	[dreg:$0x4] =	wrdreg $0xC0  }
0xab: {  	_ =	task [dreg:s7], $0x5FFFF  }
0xac: {  	[dreg:$0x1] =	wrdreg $0xFFFFFFFF  }
0xad: {  	[dreg:$0x0] =	wrdreg $0x60  }
0xae: {  	[dreg:$0x2] =	wrdreg s24  }
0xaf: {  	[dreg:$0x3] =	wrdreg s2  }
0xb0: {  	[dreg:$0x4] =	wrdreg $0x9  }
0xb1: {  	_ =	task.clear_ibuf [dreg:s7], $0x5FFFF;
	_ =	strace $0x90000046  }
0xb2: {  	s29 =	simm.s32 $0x9;
	_ =	strace $0x80000048  }
0xb3: {  	_ =	swait.ge [sflag:s29], $0x1  }
0xb4: {  	[sflag:s29] =	ssyncadd.s32 $0xFFFFFFFF  }
0xb5: {  	_ =	strace $0x90000048  }
0xb6: {  	_ =	sfence  }
0xb7: {  	s30 =	sld [smem:$0x0];
	_ =	sdelay $0x2  }
0xb8: {  	s31 =	sshll.u32 s1, $0xD;
	s1 =	sshrl.u32 s1, $0x2  }
0xb9: {  	s3 =	sand.u32 $0x4000, s31;
	s1 =	sadd.s32 s1, s30  }
0xba: {  	s0 =	sor.u32 s3, s0;
	s1 =	sshll.u32 s1, $0x11  }
0xbb: {  	s0 =	sor.u32 s1, s0  }
0xbc: {  	s0 =	sadd.s32 $0x8F2B, s0  }
0xbd: {  	[sflag:s0] =	ssyncadd.remote.s32 $0x1  }
0xbe: {  	_ =	sfence.sel $0xFFFF  }
0xbf: {  	[dreg:$0x0] =	wrdreg $0xFFFFFFFF;
	(pc) =	sbr.abs _section_cstart, $3  }
0xc0: {  	[dreg:$0x1] =	wrdreg $0xFFFFFFFF  }
0xc1: {  	_ =	task.clear_ibuf [dreg:s7], $0x2FFFF;
	_ =	strace $0x9FFFFFFF  }
0xc2: {  	(tm) =	ssettm $0x7FFFFFFF  }
0xc3: {  	_ =	shalt  }
tec
execute0_lowered:
.L_overlay_start_1:
0x0: {  	(tag) =	ssettag $0x1  }
0x1: {  	s5 =	rddreg [dreg:$0x0]  }
0x2: {  	s1 =	rddreg [dreg:$0x1]  }
0x3: {  	s0 =	rddreg [dreg:$0x2]  }
0x4: {  	s2 =	simm.s32 $0x0;
	s3 =	srdreg.scid;
	s9 =	simm.s32 $0x8000  }
0x5: {  	s10 =	simm.s32 $0x0;
	[smem:$0x7FF] =	sst s2;
	s6 =	sand.u32 $0x1, s3  }
0x6: {  	v0 =	vlaneseq.u32;
	s4 =	sadd.s32 $0x800, s5;
	s3 =	stileid.u32;
	s7 =	ssub.s32 $0x2, s6  }
0x7: {  	v1 =	vor.u32 $0x10, v0;
	s5 =	sadd.s32 $0x400800, s5;
	_ =	strace $0x80000047;
	s8 =	sshrl.u32 s7, $0x1  }
0x8: {  	v2 =	vor.u32 $0x20, v0;
	v3 =	vor.u32 $0x30, v0;
	v4 =	vor.u32 $0x40, v0;
	s31 =	sshll.u32 s3, $0x7;
	s6 =	sshll.u32 s6, $0x6;
	s7 =	ssub.s32 s7, s8  }
0x9: {  	v5 =	vor.u32 $0x50, v0;
	v6 =	vor.u32 $0x60, v0;
	v7 =	vor.u32 $0x70, v0;
	s6 =	sor.u32 s6, s31;
	s8 =	simm.s32 $0x1;
	s7 =	smax.u32 s7, $0x1  }
.LBB2_1:
0xa: {  	s11 =	simm.s32 $0x0  }
.LBB2_2:
0xb: {  	s12 =	sadd.s32 s6, s11  }
0xc: {  	s12 =	sshll.u32 s12, $0xB  }
0xd: {  	s14 =	simm.s32 $0x0;
	s13 =	sadd.s32 s4, s12  }
0xe: {  	[tilespmem:s14], [sflag:$0x1] =	stream.linear.gather [hbm4b:s13+s14], $0x4000, $0x38;
	[tilespmem:$0xC000] =	vst v63  }
0xf: {  	_ =	swait.ge [sflag:s8], $0x4000  }
0x10: {  	[sflag:s8] =	ssyncset.done $0x0  }
0x11: {  	s15 =	simm.s32 $0x4000;
	s31 =	sadd.s32 s5, s12;
	[sflag:s8] =	ssyncadd.s32 $0xFFFFC000  }
0x12: {  	[tilespmem:s15], [sflag:$0x1] =	stream.linear.gather [hbm4b:s31+s14], $0x4000, $0x38;
	[tilespmem:$0xC000] =	vst v63  }
0x13: {  	_ =	swait.ge [sflag:s8], $0x4000  }
0x14: {  	[sflag:s8] =	ssyncset.done $0x0  }
0x15: {  	[sflag:s8] =	ssyncadd.s32 $0xFFFFC000  }
0x16: {  	s16 =	simm.s32 $0x40;
	v8 =	vld [tilespmem:s15+$0x0]  }
0x17: {  	v9 =	vld [tilespmem:s16+$0xFFFFFFC0];
	_ =	sdelay $0x3  }
0x18: {  	v10 =	vmov s14  }
0x19: {  	vm1 =	veq.s32 v10, v0;
	vm0 =	vge.f32 v9, v8  }
0x1a: {  	vm0 =	vmor vm1, vm0  }
0x1b: {  	s13 =	simm.s32 $0x8040;
	v9 =	vnsel vm0, $0x0, v9  }
0x1c: {  	[tilespmem:s13+$0xFFFFFFC0] =	vst v9  }
0x1d: {  	v9 =	vld [tilespmem:s16+$0xFFFFFFD0];
	_ =	sdelay $0x4  }
0x1e: {  	vm15 =	veq.s32 v10, v1;
	vm14 =	vge.f32 v9, v8  }
0x1f: {  	vm0 =	vmor vm15, vm14  }
0x20: {  	v9 =	vnsel vm0, $0x0, v9  }
0x21: {  	[tilespmem:s13+$0xFFFFFFD0] =	vst v9  }
0x22: {  	v9 =	vld [tilespmem:s16+$0xFFFFFFE0];
	_ =	sdelay $0x4  }
0x23: {  	vm5 =	veq.s32 v10, v2;
	vm4 =	vge.f32 v9, v8  }
0x24: {  	vm0 =	vmor vm5, vm4  }
0x25: {  	v9 =	vnsel vm0, $0x0, v9  }
0x26: {  	[tilespmem:s13+$0xFFFFFFE0] =	vst v9  }
0x27: {  	v9 =	vld [tilespmem:s16+$0xFFFFFFF0];
	_ =	sdelay $0x4  }
0x28: {  	vm7 =	veq.s32 v10, v3;
	vm6 =	vge.f32 v9, v8  }
0x29: {  	vm0 =	vmor vm7, vm6  }
0x2a: {  	v9 =	vnsel vm0, $0x0, v9  }
0x2b: {  	[tilespmem:s13+$0xFFFFFFF0] =	vst v9  }
0x2c: {  	v9 =	vld [tilespmem:s16+$0x0];
	_ =	sdelay $0x4  }
0x2d: {  	vm9 =	veq.s32 v10, v4;
	vm8 =	vge.f32 v9, v8  }
0x2e: {  	vm0 =	vmor vm9, vm8  }
0x2f: {  	v9 =	vnsel vm0, $0x0, v9  }
0x30: {  	[tilespmem:s13+$0x0] =	vst v9  }
0x31: {  	v9 =	vld [tilespmem:s16+$0x10];
	_ =	sdelay $0x4  }
0x32: {  	vm11 =	veq.s32 v10, v5;
	vm10 =	vge.f32 v9, v8  }
0x33: {  	vm0 =	vmor vm11, vm10  }
0x34: {  	v9 =	vnsel vm0, $0x0, v9  }
0x35: {  	[tilespmem:s13+$0x10] =	vst v9  }
0x36: {  	v9 =	vld [tilespmem:s16+$0x20];
	_ =	sdelay $0x4  }
0x37: {  	vm13 =	veq.s32 v10, v6;
	vm12 =	vge.f32 v9, v8  }
0x38: {  	vm0 =	vmor vm13, vm12  }
0x39: {  	v9 =	vnsel vm0, $0x0, v9  }
0x3a: {  	[tilespmem:s13+$0x20] =	vst v9  }
0x3b: {  	v9 =	vld [tilespmem:s16+$0x30];
	_ =	sdelay $0x4  }
0x3c: {  	vm15 =	veq.s32 v10, v7;
	vm14 =	vge.f32 v9, v8  }
0x3d: {  	vm0 =	vmor vm15, vm14  }
0x3e: {  	v8 =	vnsel vm0, $0x0, v9  }
0x3f: {  	s15 =	simm.s32 $0x4080;
	[tilespmem:s13+$0x30] =	vst v8  }
0x40: {  	s14 =	simm.s32 $0xC0;
	v8 =	vld [tilespmem:s15+$0x0]  }
0x41: {  	s17 =	simm.s32 $0x2;
	s16 =	simm.s32 $0x1;
	v9 =	vld [tilespmem:s14+$0xFFFFFFC0]  }
.LBB2_3:
0x42: {  	p0 =	sne.s32 s17, $0x7F;
	_ =	sdelay $0x2  }
0x43: {  	v10 =	vmov s16;
	s16 =	smov.u32 s17  }
0x44: {  	vm1 =	veq.s32 v10, v0;
	vm0 =	vge.f32 v9, v8  }
0x45: {  	vm0 =	vmor vm1, vm0  }
0x46: {  	s13 =	sadd.s32 $0x80, s13;
	v9 =	vnsel vm0, $0x0, v9  }
0x47: {  	[tilespmem:s13+$0xFFFFFFC0] =	vst v9  }
0x48: {  	v9 =	vld [tilespmem:s14+$0xFFFFFFD0];
	_ =	sdelay $0x4  }
0x49: {  	vm1 =	veq.s32 v10, v1;
	vm0 =	vge.f32 v9, v8  }
0x4a: {  	vm0 =	vmor vm1, vm0  }
0x4b: {  	v9 =	vnsel vm0, $0x0, v9  }
0x4c: {  	[tilespmem:s13+$0xFFFFFFD0] =	vst v9  }
0x4d: {  	v9 =	vld [tilespmem:s14+$0xFFFFFFE0];
	_ =	sdelay $0x4  }
0x4e: {  	vm1 =	veq.s32 v10, v2;
	vm0 =	vge.f32 v9, v8  }
0x4f: {  	vm0 =	vmor vm1, vm0  }
0x50: {  	v9 =	vnsel vm0, $0x0, v9  }
0x51: {  	[tilespmem:s13+$0xFFFFFFE0] =	vst v9  }
0x52: {  	v9 =	vld [tilespmem:s14+$0xFFFFFFF0];
	_ =	sdelay $0x4  }
0x53: {  	vm1 =	veq.s32 v10, v3;
	vm0 =	vge.f32 v9, v8  }
0x54: {  	vm0 =	vmor vm1, vm0  }
0x55: {  	v9 =	vnsel vm0, $0x0, v9  }
0x56: {  	[tilespmem:s13+$0xFFFFFFF0] =	vst v9  }
0x57: {  	v9 =	vld [tilespmem:s14+$0x0];
	_ =	sdelay $0x4  }
0x58: {  	vm1 =	veq.s32 v10, v4;
	vm0 =	vge.f32 v9, v8  }
0x59: {  	vm0 =	vmor vm1, vm0  }
0x5a: {  	v9 =	vnsel vm0, $0x0, v9  }
0x5b: {  	[tilespmem:s13+$0x0] =	vst v9  }
0x5c: {  	v9 =	vld [tilespmem:s14+$0x10];
	_ =	sdelay $0x4  }
0x5d: {  	vm1 =	veq.s32 v10, v5;
	vm0 =	vge.f32 v9, v8  }
0x5e: {  	vm0 =	vmor vm1, vm0  }
0x5f: {  	v9 =	vnsel vm0, $0x0, v9  }
0x60: {  	[tilespmem:s13+$0x10] =	vst v9  }
0x61: {  	v9 =	vld [tilespmem:s14+$0x20];
	_ =	sdelay $0x4  }
0x62: {  	vm1 =	veq.s32 v10, v6;
	vm0 =	vge.f32 v9, v8  }
0x63: {  	vm0 =	vmor vm1, vm0  }
0x64: {  	v9 =	vnsel vm0, $0x0, v9  }
0x65: {  	[tilespmem:s13+$0x20] =	vst v9  }
0x66: {  	v9 =	vld [tilespmem:s14+$0x30];
	_ =	sdelay $0x4  }
0x67: {  	vm1 =	veq.s32 v10, v7;
	vm0 =	vge.f32 v9, v8  }
.Ltmp0:
0x68: {  	vm0 =	vmor vm1, vm0;
	(pc) =	sbr.rel @p0 .LBB2_3-.Ltmp0, $4  }
0x69: {  	v8 =	vnsel vm0, $0x0, v9  }
0x6a: {  	s15 =	sadd.s32 $0x80, s15;
	[tilespmem:s13+$0x30] =	vst v8  }
0x6b: {  	s14 =	sadd.s32 $0x80, s14;
	v8 =	vld [tilespmem:s15+$0x0]  }
0x6c: {  	s17 =	sadd.s32 $0x1, s17;
	v9 =	vld [tilespmem:s14+$0xFFFFFFC0]  }
0x6d: {  	_ =	sdelay $0x2  }
0x6e: {  	v10 =	vmov s16  }
0x6f: {  	vm1 =	veq.s32 v10, v0;
	vm0 =	vge.f32 v9, v8  }
0x70: {  	vm0 =	vmor vm1, vm0  }
0x71: {  	s13 =	sadd.s32 $0x80, s13;
	v63 =	vnsel vm0, $0x0, v9  }
0x72: {  	[tilespmem:s13+$0xFFFFFFC0] =	vst v63  }
0x73: {  	v9 =	vld [tilespmem:s14+$0xFFFFFFD0];
	_ =	sdelay $0x4  }
0x74: {  	vm15 =	veq.s32 v10, v1;
	vm14 =	vge.f32 v9, v8  }
0x75: {  	vm0 =	vmor vm15, vm14  }
0x76: {  	v9 =	vnsel vm0, $0x0, v9  }
0x77: {  	[tilespmem:s13+$0xFFFFFFD0] =	vst v9  }
0x78: {  	v9 =	vld [tilespmem:s14+$0xFFFFFFE0];
	_ =	sdelay $0x4  }
0x79: {  	vm5 =	veq.s32 v10, v2;
	vm4 =	vge.f32 v9, v8  }
0x7a: {  	vm0 =	vmor vm5, vm4  }
0x7b: {  	v9 =	vnsel vm0, $0x0, v9  }
0x7c: {  	[tilespmem:s13+$0xFFFFFFE0] =	vst v9  }
0x7d: {  	v9 =	vld [tilespmem:s14+$0xFFFFFFF0];
	_ =	sdelay $0x4  }
0x7e: {  	vm7 =	veq.s32 v10, v3;
	vm6 =	vge.f32 v9, v8  }
0x7f: {  	vm0 =	vmor vm7, vm6  }
0x80: {  	v9 =	vnsel vm0, $0x0, v9  }
0x81: {  	[tilespmem:s13+$0xFFFFFFF0] =	vst v9  }
0x82: {  	v9 =	vld [tilespmem:s14+$0x0];
	_ =	sdelay $0x4  }
0x83: {  	vm9 =	veq.s32 v10, v4;
	vm8 =	vge.f32 v9, v8  }
0x84: {  	vm0 =	vmor vm9, vm8  }
0x85: {  	v9 =	vnsel vm0, $0x0, v9  }
0x86: {  	[tilespmem:s13+$0x0] =	vst v9  }
0x87: {  	v9 =	vld [tilespmem:s14+$0x10];
	_ =	sdelay $0x4  }
0x88: {  	vm11 =	veq.s32 v10, v5;
	vm10 =	vge.f32 v9, v8  }
0x89: {  	vm0 =	vmor vm11, vm10  }
0x8a: {  	v9 =	vnsel vm0, $0x0, v9  }
0x8b: {  	[tilespmem:s13+$0x10] =	vst v9  }
0x8c: {  	v9 =	vld [tilespmem:s14+$0x20];
	_ =	sdelay $0x4  }
0x8d: {  	vm13 =	veq.s32 v10, v6;
	vm12 =	vge.f32 v9, v8  }
0x8e: {  	vm0 =	vmor vm13, vm12  }
0x8f: {  	v9 =	vnsel vm0, $0x0, v9  }
0x90: {  	[tilespmem:s13+$0x20] =	vst v9  }
0x91: {  	v9 =	vld [tilespmem:s14+$0x30];
	_ =	sdelay $0x4  }
0x92: {  	vm15 =	veq.s32 v10, v7;
	vm14 =	vge.f32 v9, v8  }
0x93: {  	s11 =	sadd.s32 $0x1, s11;
	vm0 =	vmor vm15, vm14  }
0x94: {  	p0 =	sne.s32 s11, $0x40;
	v8 =	vnsel vm0, $0x0, v9  }
.Ltmp1:
0x95: {  	s12 =	sadd.s32 s1, s12;
	[tilespmem:s13+$0x30] =	vst v8;
	(pc) =	sbr.rel @p0 .LBB2_2-.Ltmp1, $4  }
0x96: {  	[hbm4b:s12+s2] =	stream.linear.scatter [tilespmem:s9], [sflag:$0x1], $0x4000, $0x38;
	[tilespmem:$0xC000] =	vst v63  }
0x97: {  	_ =	swait.ge [sflag:s8], $0x4000  }
0x98: {  	[sflag:s8] =	ssyncset.done $0x0  }
0x99: {  	[sflag:s8] =	ssyncadd.s32 $0xFFFFC000  }
0x9a: {  	s10 =	sadd.s32 $0x1, s10  }
0x9b: {  	p0 =	sne.s32 s10, s7  }
.Ltmp2:
0x9c: {  	_ = 	snop;
	(pc) =	sbr.rel @p0 .LBB2_1-.Ltmp2, $1  }
0x9d: {  	_ =	sdelay $0x3  }
0x9e: {  	_ =	sfence.sel $0x180000  }
0x9f: {  	[bflag:$0x0] =	sbarrier.arrive $0xFFFF  }
0xa0: {  	p0 =	sne.s32 s3, $0x0;
	_ =	strace $0x90000047  }
0xa1: {  	s0 =	sadd.s32 @!p0 $0x100000, s0;
	[bflag:$0x2] =	sbarrier.arrive $0xFFFF  }
0xa2: {  	[sflag:s0] =	ssyncadd.tile.s32 @!p0 $0x1;
	_ =	shalt  }
.Lfunc_end2:
_tile_overlayer_lowered:
.L_overlay_start_2:
0xa3: {  	(tag) =	ssettag $0x2  }
0xa4: {  	s0 =	rddreg [dreg:$0x0];
	s2 =	stileid.u32  }
0xa5: {  	s1 =	rddreg [dreg:$0x1];
	p0 =	sne.s32 s2, $0x0  }
0xa6: {  	s3 =	rddreg [dreg:$0x2];
	[bflag:$0x3] =	sbarrier.arrive $0xFFFF;
	s2 =	simm.s32 @!p0 $0x1C01  }
0xa7: {  	[timem:s3], [sflag:s2] =	dma.local @!p0 [hbm:s0], s1  }
0xa8: {  	s0 =	simm.s32 @!p0 $0x1  }
0xa9: {  	_ =	swait.ge @!p0 [sflag:s0], s1  }
0xaa: {  	s1 =	ssub.s32 @!p0 $0x0, s1;
	[sflag:s0] =	ssyncset.done @!p0 $0x0  }
0xab: {  	[sflag:s0] =	ssyncadd.s32 @!p0 s1  }
0xac: {  	[bflag:$0x3] =	sbarrier.arrive $0xFFFF  }
0xad: {  	_ =	shalt  }

</sc_bundles>
